<compile_context>
chip_gen: v7x
topology: tpu7x:2x2x1
jax: 0.10.2.dev20260603
libtpu: 0.0.44.dev20260713+nightly
codegen_flags: <defaults>
</compile_context>

<pallas_src>
import functools

import jax
import jax.numpy as jnp
from jax import lax
from jax.experimental import pallas as pl
from jax.experimental.pallas import tpu as pltpu
from jax.experimental.pallas import tpu_sc as plsc

ATOM_DIMS = 32
N_LAYERS = 3
K = 16
NEG_SLOPE = 0.2
EPS = 1e-5

QB = 128
NCH = 4
QB2 = 256
_MAXI = 2**31 - 1
_NST = 64


def _extract16_full(d_ref):
    m_keys = d_ref.shape[1]
    ch = m_keys // NCH

    def chunk_min(c, m):
        sl = pl.ds(c * ch, ch)
        return jnp.minimum(m, jnp.min(d_ref[:, sl], axis=1, keepdims=True))

    m0 = lax.fori_loop(0, NCH, chunk_min,
                       jnp.full((QB, 1), jnp.inf, jnp.float32))

    def extract(j, carry):
        m, idx_acc = carry

        def amin_chunk(c, a):
            sl = pl.ds(c * ch, ch)
            blk = d_ref[:, sl]
            io = lax.broadcasted_iota(jnp.int32, (QB, ch), 1) + c * ch
            t = jnp.where(blk == m, io, _MAXI)
            return jnp.minimum(a, jnp.min(t, axis=1, keepdims=True))

        a = lax.fori_loop(0, NCH, amin_chunk,
                          jnp.full((QB, 1), _MAXI, jnp.int32))

        def mask_chunk(c, nm):
            sl = pl.ds(c * ch, ch)
            blk = d_ref[:, sl]
            io = lax.broadcasted_iota(jnp.int32, (QB, ch), 1) + c * ch
            hit = (blk == m) & (io == a)
            nblk = jnp.where(hit, jnp.inf, blk)
            d_ref[:, sl] = nblk
            return jnp.minimum(nm, jnp.min(nblk, axis=1, keepdims=True))

        m_next = lax.fori_loop(0, NCH, mask_chunk,
                               jnp.full((QB, 1), jnp.inf, jnp.float32))
        lane = lax.broadcasted_iota(jnp.int32, (QB, K), 1)
        idx_acc = jnp.where(lane == j, a, idx_acc)
        return m_next, idx_acc

    _, idx_acc = lax.fori_loop(
        0, K, extract, (m0, jnp.zeros((QB, K), jnp.int32)))
    return idx_acc


def _knn_body(x_ref, yt_ref, idx_ref, d_ref):
    m_keys = yt_ref.shape[1]
    sw = m_keys // _NST

    x = x_ref[...]
    xb = x.astype(jnp.bfloat16).astype(jnp.float32)
    xsq = jnp.sum(x * x, axis=1, keepdims=True)

    def stripe(t, carry):
        v1, v2, v3, v4, i1, i2, i3, i4 = carry
        sl = pl.ds(t * sw, sw)
        y0 = yt_ref[0:1, sl]
        y1 = yt_ref[1:2, sl]
        y2 = yt_ref[2:3, sl]
        ysq = y0 * y0 + y1 * y1 + y2 * y2
        yb0 = y0.astype(jnp.bfloat16).astype(jnp.float32)
        yb1 = y1.astype(jnp.bfloat16).astype(jnp.float32)
        yb2 = y2.astype(jnp.bfloat16).astype(jnp.float32)
        prod = (xb[:, 0:1] * yb0 + xb[:, 1:2] * yb1 + xb[:, 2:3] * yb2)
        sel = (xsq + ysq) - 2.0 * prod
        d_ref[:, sl] = sel
        gi = lax.broadcasted_iota(jnp.int32, (QB, sw), 1) + t * sw
        c1 = sel < v1
        c2 = sel < v2
        c3 = sel < v3
        c4 = sel < v4
        nv4 = jnp.where(c4, jnp.where(c3, v3, sel), v4)
        ni4 = jnp.where(c4, jnp.where(c3, i3, gi), i4)
        nv3 = jnp.where(c3, jnp.where(c2, v2, sel), v3)
        ni3 = jnp.where(c3, jnp.where(c2, i2, gi), i3)
        nv2 = jnp.where(c2, jnp.where(c1, v1, sel), v2)
        ni2 = jnp.where(c2, jnp.where(c1, i1, gi), i2)
        nv1 = jnp.where(c1, sel, v1)
        ni1 = jnp.where(c1, gi, i1)
        return (nv1, nv2, nv3, nv4, ni1, ni2, ni3, ni4)

    inf = jnp.full((QB, sw), jnp.inf, jnp.float32)
    mxi = jnp.full((QB, sw), _MAXI, jnp.int32)
    (v1, v2, v3, v4, i1, i2, i3, i4) = lax.fori_loop(
        0, _NST, stripe, (inf, inf, inf, inf, mxi, mxi, mxi, mxi))

    def wextract(j, carry):
        f, fi, cnt, of, idx_acc = carry
        m = jnp.min(f, axis=1, keepdims=True)
        hitf = f == m
        a = jnp.min(jnp.where(hitf, fi, _MAXI), axis=1, keepdims=True)
        win = hitf & (fi == a)
        lane = lax.broadcasted_iota(jnp.int32, (QB, K), 1)
        idx_acc = jnp.where(lane == j, a, idx_acc)
        nextv = jnp.where(cnt == 1, v2,
                          jnp.where(cnt == 2, v3,
                                    jnp.where(cnt == 3, v4, jnp.inf)))
        nexti = jnp.where(cnt == 1, i2,
                          jnp.where(cnt == 2, i3,
                                    jnp.where(cnt == 3, i4, _MAXI)))
        f = jnp.where(win, nextv, f)
        fi = jnp.where(win, nexti, fi)
        of = of | ((j < K - 1) & jnp.any(win & (cnt >= 4)))
        cnt = cnt + win.astype(jnp.int32)
        return f, fi, cnt, of, idx_acc

    _, _, _, overflow, idx_acc = lax.fori_loop(
        0, K, wextract,
        (v1, i1, jnp.ones((QB, sw), jnp.int32), jnp.bool_(False),
         jnp.zeros((QB, K), jnp.int32)))

    idx_acc = lax.cond(overflow, lambda _: _extract16_full(d_ref),
                       lambda _: idx_acc, None)
    idx_ref[...] = idx_acc


def _knn(x, y):
    n, _ = x.shape
    m_keys = y.shape[0]
    yt = y.T
    grid = n // QB
    return pl.pallas_call(
        _knn_body,
        grid=(grid,),
        in_specs=[
            pl.BlockSpec((QB, 3), lambda i: (i, 0)),
            pl.BlockSpec((3, m_keys), lambda i: (0, 0)),
        ],
        out_specs=pl.BlockSpec((QB, K), lambda i: (i, 0)),
        out_shape=jax.ShapeDtypeStruct((n, K), jnp.int32),
        scratch_shapes=[pltpu.VMEM((QB, m_keys), jnp.float32)],
    )(x, yt)


def _make_gather(vocab, d, b):
    info = plsc.get_sparse_core_info()
    nc, ns = info.num_cores, info.num_subcores
    nw = nc * ns
    assert b % nw == 0
    b_per_w = b // nw
    chunk = 128
    assert b_per_w % chunk == 0
    mesh = plsc.VectorSubcoreMesh(core_axis_name="c", subcore_axis_name="s")

    @functools.partial(
        pl.kernel,
        mesh=mesh,
        compiler_params=pltpu.CompilerParams(use_tc_tiling_on_sc=False),
        out_type=[jax.ShapeDtypeStruct((b, d), jnp.float32),
                  jax.ShapeDtypeStruct((b, 16), jnp.float32)],
        scratch_types=[
            pltpu.VMEM((chunk,), jnp.int32),
            pltpu.VMEM((chunk, d), jnp.float32),
            pltpu.VMEM((chunk, 16), jnp.float32),
            pltpu.SemaphoreType.DMA,
        ],
    )
    def gather_kernel(table_hbm, idx_hbm, y16_hbm, out_hbm,
                      yg_hbm, idx_v, rows_v, yrow_v, sem):
        wid = lax.axis_index("s") * nc + lax.axis_index("c")
        base = wid * b_per_w

        def body(c, carry):
            off = base + c * chunk
            pltpu.sync_copy(idx_hbm.at[pl.ds(off, chunk)], idx_v)
            pltpu.async_copy(table_hbm.at[idx_v], rows_v, sem).wait()
            pltpu.sync_copy(rows_v, out_hbm.at[pl.ds(off, chunk)])
            pltpu.async_copy(y16_hbm.at[idx_v], yrow_v, sem).wait()
            pltpu.sync_copy(yrow_v, yg_hbm.at[pl.ds(off, chunk)])
            return carry

        lax.fori_loop(0, b_per_w // chunk, body, 0)

    return gather_kernel


def _mlp_body(g_ref, yg_ref, x_ref, w1_ref, b1_ref, w2_ref, b2_ref,
              gam_ref, bet_ref, out_ref):
    h = 2 * ATOM_DIMS + 1
    rows = QB2 * K
    xe = jnp.broadcast_to(x_ref[...][:, None, :], (QB2, K, 16))
    df = yg_ref[...] - xe.reshape(rows, 16)
    dist = jnp.sum(df * df, axis=1, keepdims=True)
    f = jnp.concatenate([g_ref[...], dist], axis=1)
    pe = jnp.ones((QB2, ATOM_DIMS), jnp.float32)

    def dot3(a, b):
        ah = a.astype(jnp.bfloat16)
        al = (a - ah.astype(jnp.float32)).astype(jnp.bfloat16)
        bh = b.astype(jnp.bfloat16)
        bl = (b - bh.astype(jnp.float32)).astype(jnp.bfloat16)
        dp = lambda u, v: jax.lax.dot(u, v,
                                      preferred_element_type=jnp.float32)
        return dp(ah, bh) + dp(ah, bl) + dp(al, bh)

    for i in range(N_LAYERS):
        w1 = w1_ref[i]
        za = dot3(f, w1[ATOM_DIMS:h, :])
        zb = dot3(pe, w1[:ATOM_DIMS, :])
        z = (za.reshape(QB2, K, h) + zb[:, None, :]
             + b1_ref[i][None, None, :])
        hdn = jnp.where(z >= 0, z, NEG_SLOPE * z)
        msg = dot3(hdn.reshape(rows, h), w2_ref[i])
        msum = (msg.reshape(QB2, K, ATOM_DIMS).sum(axis=1)
                + float(K) * b2_ref[i][None, :])
        halves = []
        for lo in (0, ATOM_DIMS // 2):
            part = msum[:, lo:lo + ATOM_DIMS // 2]
            mu = jnp.mean(part, axis=1, keepdims=True)
            ctr = part - mu
            var = jnp.mean(ctr * ctr, axis=1, keepdims=True)
            halves.append(ctr * lax.rsqrt(var + EPS))
        gn = (jnp.concatenate(halves, axis=1) * gam_ref[i][None, :]
              + bet_ref[i][None, :])
        pe = pe + jnp.where(gn >= 0, gn, NEG_SLOPE * gn)
    out_ref[...] = pe


def _mlp(g, ygath, x16, w1, b1, w2, b2, gamma, beta):
    n = g.shape[0] // K
    h = 2 * ATOM_DIMS + 1
    grid = n // QB2
    full = lambda *s: pl.BlockSpec(s, lambda i: (0,) * len(s))
    return pl.pallas_call(
        _mlp_body,
        grid=(grid,),
        in_specs=[
            pl.BlockSpec((QB2 * K, ATOM_DIMS), lambda i: (i, 0)),
            pl.BlockSpec((QB2 * K, 16), lambda i: (i, 0)),
            pl.BlockSpec((QB2, 16), lambda i: (i, 0)),
            full(N_LAYERS, h, h),
            full(N_LAYERS, h),
            full(N_LAYERS, h, ATOM_DIMS),
            full(N_LAYERS, ATOM_DIMS),
            full(N_LAYERS, ATOM_DIMS),
            full(N_LAYERS, ATOM_DIMS),
        ],
        out_specs=pl.BlockSpec((QB2, ATOM_DIMS), lambda i: (i, 0)),
        out_shape=jax.ShapeDtypeStruct((n, ATOM_DIMS), jnp.float32),
    )(g, ygath, x16, w1, b1, w2, b2, gamma, beta)


def _run(x, y, y_atom_types, W1, b1, W2, b2, gamma, beta):
    n = x.shape[0]
    vocab, d = y_atom_types.shape
    idx = _knn(x, y)
    y16 = jnp.pad(y, ((0, 0), (0, 16 - y.shape[1])))
    x16 = jnp.pad(x, ((0, 0), (0, 16 - x.shape[1])))
    gather = _make_gather(vocab, d, n * K)
    g, ygath = gather(y_atom_types, idx.reshape(-1), y16)
    return _mlp(g, ygath, x16, W1, b1, W2, b2, gamma, beta)


def kernel(x, y, y_atom_types, W1, b1, W2, b2, gamma, beta):
    devs = jax.devices()
    nd = len(devs)
    n = x.shape[0]
    if nd > 1 and n % (nd * QB2 * 4) == 0:
        mesh = jax.make_mesh((nd,), ("q",))
        p = jax.sharding.PartitionSpec
        ns = lambda spec: jax.sharding.NamedSharding(mesh, spec)
        rep = p()
        args = [jax.reshard(a, ns(s)) for a, s in zip(
            (x, y, y_atom_types, W1, b1, W2, b2, gamma, beta),
            (p("q"), rep, rep, rep, rep, rep, rep, rep, rep))]
        fn = jax.shard_map(
            _run, mesh=mesh,
            in_specs=(p("q"), rep, rep, rep, rep, rep, rep, rep, rep),
            out_specs=p("q"), check_vma=False)
        return fn(*args)
    return _run(x, y, y_atom_types, W1, b1, W2, b2, gamma, beta)

# --- scband reference (transcript-rebuilt; emitter-appended) ---
"""Pipeline reference for scband-atom-embedding-mp-54760833024283 (READ-ONLY COPY).

The authoritative reference and input builder live on the scoring server;
editing this copy changes nothing except your own understanding.
"""

import jax, jax.numpy as jnp
import numpy as np

ATOM_DIMS = 32
N_LAYERS = 3
K = 16
NEG_SLOPE = 0.2
EPS = 1e-5
NUM_GROUPS = 2


def leaky_relu(v):
    return jnp.where(v >= 0, v, NEG_SLOPE * v)


def group_norm(v, gamma, beta):
    # v: [N, C]; torch GroupNorm(2, C) semantics with biased variance
    N, C = v.shape
    g = v.reshape(N, NUM_GROUPS, C // NUM_GROUPS)
    mean = g.mean(axis=-1, keepdims=True)
    var = ((g - mean) ** 2).mean(axis=-1, keepdims=True)
    gn = (g - mean) / jnp.sqrt(var + EPS)
    return gn.reshape(N, C) * gamma[None, :] + beta[None, :]


def knn_atoms(x, y, k):
    # brute-force pairwise squared L2 (chunked over queries), argKmin over keys
    N, D = x.shape
    y_sq = jnp.sum(y * y, axis=1)
    chunk = 1024
    idx_chunks = []
    for s in range(0, N, chunk):
        xc = x[s:s + chunk]
        d = jnp.sum(xc * xc, axis=1)[:, None] + y_sq[None, :] - 2.0 * (xc @ y.T)
        _, idx_c = jax.lax.top_k(-d, k)
        idx_chunks.append(idx_c)
    idx = jnp.concatenate(idx_chunks, axis=0)
    x_ik = y[idx.reshape(-1)].reshape(N, k, D)
    dists = jnp.sum((x[:, None, :] - x_ik) ** 2, axis=-1)
    return idx, dists


def setup_inputs(seed: int = 0) -> dict:
    key = jax.random.key(seed)
    ks = jax.random.split(key, 8)
    N, M, D = 8192, 32768, 3
    d = ATOM_DIMS
    h = 2 * d + 1
    x = jax.random.normal(ks[0], (N, D), jnp.float32)
    y = jax.random.normal(ks[1], (M, D), jnp.float32)
    y_atom_types = jax.random.normal(ks[2], (M, d), jnp.float32)
    W1 = jax.random.normal(ks[3], (N_LAYERS, h, h), jnp.float32) * 0.05
    b1 = jax.random.normal(ks[4], (N_LAYERS, h), jnp.float32) * 0.05
    W2 = jax.random.normal(ks[5], (N_LAYERS, h, d), jnp.float32) * 0.05
    b2 = jax.random.normal(ks[6], (N_LAYERS, d), jnp.float32) * 0.05
    gamma = jnp.ones((N_LAYERS, d), jnp.float32)
    beta = jnp.zeros((N_LAYERS, d), jnp.float32)
    return {"x": x, "y": y, "y_atom_types": y_atom_types, "W1": W1, "b1": b1, "W2": W2, "b2": b2, "gamma": gamma, "beta": beta}


def reference(x, y, y_atom_types, W1, b1, W2, b2, gamma, beta):
    idx, dists = knn_atoms(x, y, K)
    num_points = x.shape[0]
    num_dims = y_atom_types.shape[-1]
    point_emb = jnp.ones((num_points, num_dims), x.dtype)
    for i in range(N_LAYERS):
        features = y_atom_types[idx.reshape(-1), :]
        features = jnp.concatenate([features, dists.reshape(-1, 1)], axis=1)
        features = features.reshape(num_points, K, num_dims + 1)
        features = jnp.concatenate([jnp.repeat(point_emb[:, None, :], K, axis=1), features], axis=-1)
        hdn = leaky_relu(features @ W1[i] + b1[i])
        messages = hdn @ W2[i] + b2[i]
        messages = messages.sum(axis=1)
        point_emb = point_emb + leaky_relu(group_norm(messages, gamma[i], beta[i]))
    return point_emb

if __name__ == "__main__":
    import jax
    _d = setup_inputs()
    print(jax.jit(kernel)(*tuple(_d.values())))

</pallas_src>

<mosaic_0001>
#map = affine_map<(d0, d1) -> (0, 0)>
#map1 = affine_map<(d0, d1) -> (0)>
module attributes {stable_mosaic.version = 14 : i64} {
  func.func @gather_kernel(%arg0: i32, %arg1: i32, %arg2: memref<32768x32xf32, #tpu.memory_space<hbm>>, %arg3: memref<131072xi32, #tpu.memory_space<hbm>>, %arg4: memref<32768x16xf32, #tpu.memory_space<hbm>>, %arg5: memref<131072x32xf32, #tpu.memory_space<hbm>>, %arg6: memref<131072x16xf32, #tpu.memory_space<hbm>>, %arg7: memref<128xi32, #tpu.memory_space<vmem>>, %arg8: memref<128x32xf32, #tpu.memory_space<vmem>>, %arg9: memref<128x16xf32, #tpu.memory_space<vmem>>, %arg10: memref<!tpu.dma_semaphore, #tpu.memory_space<semaphore_mem>>) attributes {dimension_semantics = [#tpu.dimension_semantics<core_parallel>, #tpu.dimension_semantics<subcore_parallel>], iteration_bounds = array<i64: 2, 16>, scalar_prefetch = 0 : i64, scratch_operands = 4 : i64, tpu.core_type = #tpu.core_type<sc_vector_subcore>, window_params = [{transform_indices = #map}, {transform_indices = #map1}, {transform_indices = #map}, {transform_indices = #map}, {transform_indices = #map}]} {
    %mul3A = arith.constant 2 : i32
    %mul3A_0 = arith.muli %arg1, %mul3A : i32
    %add3A = arith.addi %mul3A_0, %arg0 : i32
    %mul3A_1 = arith.constant 4096 : i32
    %mul3A_2 = arith.muli %add3A, %mul3A_1 : i32
    %scan3A = arith.constant 0 : i32
    %scan3A_3 = arith.constant 0 : i32
    %scan3A_4 = arith.constant 32 : i32
    %scan3A_5 = arith.addi %scan3A_3, %scan3A_4 : i32
    %scan3A_6 = arith.constant 1 : i32
    scf.for %scan3A_8 = %scan3A_3 to %scan3A_5 step %scan3A_6  : i32 {
      %mul3A_9 = arith.constant 128 : i32
      %mul3A_10 = arith.muli %scan3A_8, %mul3A_9 : i32
      %add3A_11 = arith.addi %mul3A_2, %mul3A_10 : i32
      "tpu.region"() ({
        %run_scoped3A = tpu.sem_alloc : memref<!tpu.dma_semaphore, #tpu.memory_space<semaphore_mem>>
        %dma_start3A_22 = tpu.memref_slice %arg3[%add3A_11] : memref<131072xi32, #tpu.memory_space<hbm>> -> memref<128xi32, #tpu.memory_space<hbm>>
        %dma_start3A_23 = tpu.memref_slice %arg3[%add3A_11] : memref<131072xi32, #tpu.memory_space<hbm>> -> memref<128xi32, #tpu.memory_space<hbm>>
        tpu.enqueue_dma source(%dma_start3A_23 : memref<128xi32, #tpu.memory_space<hbm>>) target(%arg7 : memref<128xi32, #tpu.memory_space<vmem>>) target_semaphore(%run_scoped3A : memref<!tpu.dma_semaphore, #tpu.memory_space<semaphore_mem>>)
        %dma_wait3A_24 = tpu.memref_slice %arg3[%add3A_11] : memref<131072xi32, #tpu.memory_space<hbm>> -> memref<128xi32, #tpu.memory_space<hbm>>
        %dma_wait3A_25 = tpu.memref_slice %arg3[%add3A_11] : memref<131072xi32, #tpu.memory_space<hbm>> -> memref<128xi32, #tpu.memory_space<hbm>>
        tpu.wait_dma2 semaphore(%run_scoped3A : memref<!tpu.dma_semaphore, #tpu.memory_space<semaphore_mem>>) src(%dma_wait3A_25 : memref<128xi32, #tpu.memory_space<hbm>>) dst(%arg7 : memref<128xi32, #tpu.memory_space<vmem>>)
        tpu.yield
      }) : () -> ()
      %dma_start3A = arith.constant 0 : i32
      %dma_start3A_12 = arith.constant 0 : i32
      %dma_start3A_13 = tpu.memref_slice %arg2[%dma_start3A, %dma_start3A_12] : memref<32768x32xf32, #tpu.memory_space<hbm>> -> memref<32768x32xf32, #tpu.memory_space<hbm>>
      tpu.enqueue_indirect_dma source(%dma_start3A_13 : memref<32768x32xf32, #tpu.memory_space<hbm>>) target(%arg8 : memref<128x32xf32, #tpu.memory_space<vmem>>) offsets(%arg7 : memref<128xi32, #tpu.memory_space<vmem>>) semaphore(%arg10 : memref<!tpu.dma_semaphore, #tpu.memory_space<semaphore_mem>>)
      %dma_wait3A = arith.constant 0 : i32
      %dma_wait3A_14 = arith.constant 0 : i32
      %dma_wait3A_15 = tpu.memref_slice %arg2[%dma_wait3A, %dma_wait3A_14] : memref<32768x32xf32, #tpu.memory_space<hbm>> -> memref<32768x32xf32, #tpu.memory_space<hbm>>
      tpu.wait_indirect_dma semaphore(%arg10 : memref<!tpu.dma_semaphore, #tpu.memory_space<semaphore_mem>>) src(%dma_wait3A_15 : memref<32768x32xf32, #tpu.memory_space<hbm>>) dst(%arg8 : memref<128x32xf32, #tpu.memory_space<vmem>>)
      "tpu.region"() ({
        %run_scoped3A = tpu.sem_alloc : memref<!tpu.dma_semaphore, #tpu.memory_space<semaphore_mem>>
        %dma_start3A_22 = arith.constant 0 : i32
        %dma_start3A_23 = tpu.memref_slice %arg5[%add3A_11, %dma_start3A_22] : memref<131072x32xf32, #tpu.memory_space<hbm>> -> memref<128x32xf32, #tpu.memory_space<hbm>>
        %dma_start3A_24 = arith.constant 0 : i32
        %dma_start3A_25 = tpu.memref_slice %arg5[%add3A_11, %dma_start3A_24] : memref<131072x32xf32, #tpu.memory_space<hbm>> -> memref<128x32xf32, #tpu.memory_space<hbm>>
        tpu.enqueue_dma source(%arg8 : memref<128x32xf32, #tpu.memory_space<vmem>>) target(%dma_start3A_25 : memref<128x32xf32, #tpu.memory_space<hbm>>) target_semaphore(%run_scoped3A : memref<!tpu.dma_semaphore, #tpu.memory_space<semaphore_mem>>)
        %dma_wait3A_26 = arith.constant 0 : i32
        %dma_wait3A_27 = tpu.memref_slice %arg5[%add3A_11, %dma_wait3A_26] : memref<131072x32xf32, #tpu.memory_space<hbm>> -> memref<128x32xf32, #tpu.memory_space<hbm>>
        %dma_wait3A_28 = arith.constant 0 : i32
        %dma_wait3A_29 = tpu.memref_slice %arg5[%add3A_11, %dma_wait3A_28] : memref<131072x32xf32, #tpu.memory_space<hbm>> -> memref<128x32xf32, #tpu.memory_space<hbm>>
        tpu.wait_dma2 semaphore(%run_scoped3A : memref<!tpu.dma_semaphore, #tpu.memory_space<semaphore_mem>>) src(%arg8 : memref<128x32xf32, #tpu.memory_space<vmem>>) dst(%dma_wait3A_29 : memref<128x32xf32, #tpu.memory_space<hbm>>)
        tpu.yield
      }) : () -> ()
      %dma_start3A_16 = arith.constant 0 : i32
      %dma_start3A_17 = arith.constant 0 : i32
      %dma_start3A_18 = tpu.memref_slice %arg4[%dma_start3A_16, %dma_start3A_17] : memref<32768x16xf32, #tpu.memory_space<hbm>> -> memref<32768x16xf32, #tpu.memory_space<hbm>>
      tpu.enqueue_indirect_dma source(%dma_start3A_18 : memref<32768x16xf32, #tpu.memory_space<hbm>>) target(%arg9 : memref<128x16xf32, #tpu.memory_space<vmem>>) offsets(%arg7 : memref<128xi32, #tpu.memory_space<vmem>>) semaphore(%arg10 : memref<!tpu.dma_semaphore, #tpu.memory_space<semaphore_mem>>)
      %dma_wait3A_19 = arith.constant 0 : i32
      %dma_wait3A_20 = arith.constant 0 : i32
      %dma_wait3A_21 = tpu.memref_slice %arg4[%dma_wait3A_19, %dma_wait3A_20] : memref<32768x16xf32, #tpu.memory_space<hbm>> -> memref<32768x16xf32, #tpu.memory_space<hbm>>
      tpu.wait_indirect_dma semaphore(%arg10 : memref<!tpu.dma_semaphore, #tpu.memory_space<semaphore_mem>>) src(%dma_wait3A_21 : memref<32768x16xf32, #tpu.memory_space<hbm>>) dst(%arg9 : memref<128x16xf32, #tpu.memory_space<vmem>>)
      "tpu.region"() ({
        %run_scoped3A = tpu.sem_alloc : memref<!tpu.dma_semaphore, #tpu.memory_space<semaphore_mem>>
        %dma_start3A_22 = arith.constant 0 : i32
        %dma_start3A_23 = tpu.memref_slice %arg6[%add3A_11, %dma_start3A_22] : memref<131072x16xf32, #tpu.memory_space<hbm>> -> memref<128x16xf32, #tpu.memory_space<hbm>>
        %dma_start3A_24 = arith.constant 0 : i32
        %dma_start3A_25 = tpu.memref_slice %arg6[%add3A_11, %dma_start3A_24] : memref<131072x16xf32, #tpu.memory_space<hbm>> -> memref<128x16xf32, #tpu.memory_space<hbm>>
        tpu.enqueue_dma source(%arg9 : memref<128x16xf32, #tpu.memory_space<vmem>>) target(%dma_start3A_25 : memref<128x16xf32, #tpu.memory_space<hbm>>) target_semaphore(%run_scoped3A : memref<!tpu.dma_semaphore, #tpu.memory_space<semaphore_mem>>)
        %dma_wait3A_26 = arith.constant 0 : i32
        %dma_wait3A_27 = tpu.memref_slice %arg6[%add3A_11, %dma_wait3A_26] : memref<131072x16xf32, #tpu.memory_space<hbm>> -> memref<128x16xf32, #tpu.memory_space<hbm>>
        %dma_wait3A_28 = arith.constant 0 : i32
        %dma_wait3A_29 = tpu.memref_slice %arg6[%add3A_11, %dma_wait3A_28] : memref<131072x16xf32, #tpu.memory_space<hbm>> -> memref<128x16xf32, #tpu.memory_space<hbm>>
        tpu.wait_dma2 semaphore(%run_scoped3A : memref<!tpu.dma_semaphore, #tpu.memory_space<semaphore_mem>>) src(%arg9 : memref<128x16xf32, #tpu.memory_space<vmem>>) dst(%dma_wait3A_29 : memref<128x16xf32, #tpu.memory_space<hbm>>)
        tpu.yield
      }) : () -> ()
    }
    %scan3A_7 = arith.constant 32 : i32
    return
  }
}

module attributes {stable_mosaic.version = 14 : i64} {
  func.func @_knn_body(%arg0: i32, %arg1: memref<128x3xf32, #tpu.memory_space<vmem>>, %arg2: memref<3x32768xf32, #tpu.memory_space<vmem>>, %arg3: memref<128x16xi32, #tpu.memory_space<vmem>>, %arg4: memref<128x32768xf32, #tpu.memory_space<vmem>>) attributes {dimension_semantics = [#tpu.dimension_semantics<arbitrary>], iteration_bounds = array<i64: 64>, scalar_prefetch = 0 : i64, scratch_operands = 1 : i64, tpu.core_type = #tpu.core_type<tc>, window_params = [{transform_indices = @transform_0, window_bounds = array<i64: 128, 3>}, {pipeline_mode = #tpu.pipeline_mode<synchronous>, transform_indices = @transform_1, window_bounds = array<i64: 3, 32768>}, {transform_indices = @transform_2, window_bounds = array<i64: 128, 16>}]} {
    %get3A = arith.constant 0 : index
    %get3A_0 = arith.constant 0 : index
    %get3A_1 = vector.load %arg1[%get3A, %get3A_0] : memref<128x3xf32, #tpu.memory_space<vmem>>, vector<128x3xf32>
    %convert_element_type3A = arith.truncf %get3A_1 : vector<128x3xf32> to vector<128x3xbf16>
    %convert_element_type3A_2 = arith.extf %convert_element_type3A : vector<128x3xbf16> to vector<128x3xf32>
    %mul3A = arith.mulf %get3A_1, %get3A_1 : vector<128x3xf32>
    %reduce_sum3A = arith.constant dense<0.000000e+00> : vector<128xf32>
    %reduce_sum3A_3 = vector.multi_reduction <add>, %mul3A, %reduce_sum3A [1] : vector<128x3xf32> to vector<128xf32>
    %broadcast_in_dim3A = vector.shape_cast %reduce_sum3A_3 : vector<128xf32> to vector<128x1xf32>
    %broadcast_in_dim3A_4 = arith.constant 0x7F800000 : f32
    %broadcast_in_dim3A_5 = vector.broadcast %broadcast_in_dim3A_4 : f32 to vector<128x512xf32>
    %broadcast_in_dim3A_6 = arith.constant 2147483647 : i32
    %broadcast_in_dim3A_7 = vector.broadcast %broadcast_in_dim3A_6 : i32 to vector<128x512xi32>
    %scan3A = arith.constant 0 : i32
    %scan3A_8 = arith.constant 64 : i32
    %scan3A_9 = arith.addi %scan3A, %scan3A_8 : i32
    %scan3A_10 = arith.constant 1 : i32
    %scan3A_11:8 = scf.for %scan3A_29 = %scan3A to %scan3A_9 step %scan3A_10 iter_args(%scan3A_30 = %broadcast_in_dim3A_5, %scan3A_31 = %broadcast_in_dim3A_5, %scan3A_32 = %broadcast_in_dim3A_5, %scan3A_33 = %broadcast_in_dim3A_5, %scan3A_34 = %broadcast_in_dim3A_7, %scan3A_35 = %broadcast_in_dim3A_7, %scan3A_36 = %broadcast_in_dim3A_7, %scan3A_37 = %broadcast_in_dim3A_7) -> (vector<128x512xf32>, vector<128x512xf32>, vector<128x512xf32>, vector<128x512xf32>, vector<128x512xi32>, vector<128x512xi32>, vector<128x512xi32>, vector<128x512xi32>)  : i32 {
      %mul3A_38 = arith.constant 512 : i32
      %mul3A_39 = arith.muli %scan3A_29, %mul3A_38 : i32
      %get3A_40 = arith.constant 0 : index
      %get3A_41 = arith.index_cast %mul3A_39 : i32 to index
      %get3A_42 = vector.load %arg2[%get3A_40, %get3A_41] : memref<3x32768xf32, #tpu.memory_space<vmem>>, vector<1x512xf32>
      %get3A_43 = arith.constant 1 : index
      %get3A_44 = arith.index_cast %mul3A_39 : i32 to index
      %get3A_45 = vector.load %arg2[%get3A_43, %get3A_44] : memref<3x32768xf32, #tpu.memory_space<vmem>>, vector<1x512xf32>
      %get3A_46 = arith.constant 2 : index
      %get3A_47 = arith.index_cast %mul3A_39 : i32 to index
      %get3A_48 = vector.load %arg2[%get3A_46, %get3A_47] : memref<3x32768xf32, #tpu.memory_space<vmem>>, vector<1x512xf32>
      %mul3A_49 = arith.mulf %get3A_42, %get3A_42 : vector<1x512xf32>
      %mul3A_50 = arith.mulf %get3A_45, %get3A_45 : vector<1x512xf32>
      %add3A = arith.addf %mul3A_49, %mul3A_50 : vector<1x512xf32>
      %mul3A_51 = arith.mulf %get3A_48, %get3A_48 : vector<1x512xf32>
      %add3A_52 = arith.addf %add3A, %mul3A_51 : vector<1x512xf32>
      %convert_element_type3A_53 = arith.truncf %get3A_42 : vector<1x512xf32> to vector<1x512xbf16>
      %convert_element_type3A_54 = arith.extf %convert_element_type3A_53 : vector<1x512xbf16> to vector<1x512xf32>
      %convert_element_type3A_55 = arith.truncf %get3A_45 : vector<1x512xf32> to vector<1x512xbf16>
      %convert_element_type3A_56 = arith.extf %convert_element_type3A_55 : vector<1x512xbf16> to vector<1x512xf32>
      %convert_element_type3A_57 = arith.truncf %get3A_48 : vector<1x512xf32> to vector<1x512xbf16>
      %convert_element_type3A_58 = arith.extf %convert_element_type3A_57 : vector<1x512xbf16> to vector<1x512xf32>
      %slice3A = vector.extract_strided_slice %convert_element_type3A_2 {offsets = [0, 0], sizes = [128, 1], strides = [1, 1]} : vector<128x3xf32> to vector<128x1xf32>
      %mul3A_59 = vector.broadcast %slice3A : vector<128x1xf32> to vector<128x512xf32>
      %mul3A_60 = vector.broadcast %convert_element_type3A_54 : vector<1x512xf32> to vector<128x512xf32>
      %mul3A_61 = arith.mulf %mul3A_59, %mul3A_60 : vector<128x512xf32>
      %slice3A_62 = vector.extract_strided_slice %convert_element_type3A_2 {offsets = [0, 1], sizes = [128, 1], strides = [1, 1]} : vector<128x3xf32> to vector<128x1xf32>
      %mul3A_63 = vector.broadcast %slice3A_62 : vector<128x1xf32> to vector<128x512xf32>
      %mul3A_64 = vector.broadcast %convert_element_type3A_56 : vector<1x512xf32> to vector<128x512xf32>
      %mul3A_65 = arith.mulf %mul3A_63, %mul3A_64 : vector<128x512xf32>
      %add3A_66 = arith.addf %mul3A_61, %mul3A_65 : vector<128x512xf32>
      %slice3A_67 = vector.extract_strided_slice %convert_element_type3A_2 {offsets = [0, 2], sizes = [128, 1], strides = [1, 1]} : vector<128x3xf32> to vector<128x1xf32>
      %mul3A_68 = vector.broadcast %slice3A_67 : vector<128x1xf32> to vector<128x512xf32>
      %mul3A_69 = vector.broadcast %convert_element_type3A_58 : vector<1x512xf32> to vector<128x512xf32>
      %mul3A_70 = arith.mulf %mul3A_68, %mul3A_69 : vector<128x512xf32>
      %add3A_71 = arith.addf %add3A_66, %mul3A_70 : vector<128x512xf32>
      %add3A_72 = vector.broadcast %broadcast_in_dim3A : vector<128x1xf32> to vector<128x512xf32>
      %add3A_73 = vector.broadcast %add3A_52 : vector<1x512xf32> to vector<128x512xf32>
      %add3A_74 = arith.addf %add3A_72, %add3A_73 : vector<128x512xf32>
      %mul3A_75 = arith.constant 2.000000e+00 : f32
      %mul3A_76 = vector.broadcast %mul3A_75 : f32 to vector<128x512xf32>
      %mul3A_77 = arith.mulf %mul3A_76, %add3A_71 : vector<128x512xf32>
      %sub3A = arith.subf %add3A_74, %mul3A_77 : vector<128x512xf32>
      %swap3A_78 = arith.constant 0 : index
      %swap3A_79 = arith.index_cast %mul3A_39 : i32 to index
      %swap3A_80 = vector.load %arg4[%swap3A_78, %swap3A_79] : memref<128x32768xf32, #tpu.memory_space<vmem>>, vector<128x512xf32>
      tpu.vector_store %arg4[%swap3A_78, %swap3A_79], %sub3A {strides = array<i32>} : memref<128x32768xf32, #tpu.memory_space<vmem>>, vector<128x512xf32>,
      %iota3A = tpu.iota {dimensions = array<i32: 1>} : vector<128x512xi32>
      %mul3A_81 = arith.constant 512 : i32
      %mul3A_82 = arith.muli %scan3A_29, %mul3A_81 : i32
      %add3A_83 = vector.broadcast %mul3A_82 : i32 to vector<128x512xi32>
      %add3A_84 = arith.addi %iota3A, %add3A_83 : vector<128x512xi32>
      %lt3A = arith.cmpf olt, %sub3A, %scan3A_30 : vector<128x512xf32>
      %lt3A_85 = arith.cmpf olt, %sub3A, %scan3A_31 : vector<128x512xf32>
      %lt3A_86 = arith.cmpf olt, %sub3A, %scan3A_32 : vector<128x512xf32>
      %lt3A_87 = arith.cmpf olt, %sub3A, %scan3A_33 : vector<128x512xf32>
      %select_n3A = arith.select %lt3A_86, %scan3A_32, %sub3A : vector<128x512xi1>, vector<128x512xf32>
      %select_n3A_88 = arith.select %lt3A_87, %select_n3A, %scan3A_33 : vector<128x512xi1>, vector<128x512xf32>
      %select_n3A_89 = arith.select %lt3A_86, %scan3A_36, %add3A_84 : vector<128x512xi1>, vector<128x512xi32>
      %select_n3A_90 = arith.select %lt3A_87, %select_n3A_89, %scan3A_37 : vector<128x512xi1>, vector<128x512xi32>
      %select_n3A_91 = arith.select %lt3A_85, %scan3A_31, %sub3A : vector<128x512xi1>, vector<128x512xf32>
      %select_n3A_92 = arith.select %lt3A_86, %select_n3A_91, %scan3A_32 : vector<128x512xi1>, vector<128x512xf32>
      %select_n3A_93 = arith.select %lt3A_85, %scan3A_35, %add3A_84 : vector<128x512xi1>, vector<128x512xi32>
      %select_n3A_94 = arith.select %lt3A_86, %select_n3A_93, %scan3A_36 : vector<128x512xi1>, vector<128x512xi32>
      %select_n3A_95 = arith.select %lt3A, %scan3A_30, %sub3A : vector<128x512xi1>, vector<128x512xf32>
      %select_n3A_96 = arith.select %lt3A_85, %select_n3A_95, %scan3A_31 : vector<128x512xi1>, vector<128x512xf32>
      %select_n3A_97 = arith.select %lt3A, %scan3A_34, %add3A_84 : vector<128x512xi1>, vector<128x512xi32>
      %select_n3A_98 = arith.select %lt3A_85, %select_n3A_97, %scan3A_35 : vector<128x512xi1>, vector<128x512xi32>
      %select_n3A_99 = arith.select %lt3A, %sub3A, %scan3A_30 : vector<128x512xi1>, vector<128x512xf32>
      %select_n3A_100 = arith.select %lt3A, %add3A_84, %scan3A_34 : vector<128x512xi1>, vector<128x512xi32>
      scf.yield %select_n3A_99, %select_n3A_96, %select_n3A_92, %select_n3A_88, %select_n3A_100, %select_n3A_98, %select_n3A_94, %select_n3A_90 : vector<128x512xf32>, vector<128x512xf32>, vector<128x512xf32>, vector<128x512xf32>, vector<128x512xi32>, vector<128x512xi32>, vector<128x512xi32>, vector<128x512xi32>
    }
    %scan3A_12 = arith.constant 64 : i32
    %broadcast_in_dim3A_13 = arith.constant 1 : i32
    %broadcast_in_dim3A_14 = vector.broadcast %broadcast_in_dim3A_13 : i32 to vector<128x512xi32>
    %broadcast_in_dim3A_15 = arith.constant 0 : i32
    %broadcast_in_dim3A_16 = vector.broadcast %broadcast_in_dim3A_15 : i32 to vector<128x16xi32>
    %scan3A_17 = arith.constant false
    %scan3A_18 = arith.constant 0 : i32
    %scan3A_19 = arith.constant 16 : i32
    %scan3A_20 = arith.addi %scan3A_18, %scan3A_19 : i32
    %scan3A_21 = arith.constant 1 : i32
    %scan3A_22:5 = scf.for %scan3A_29 = %scan3A_18 to %scan3A_20 step %scan3A_21 iter_args(%scan3A_30 = %scan3A_11#0, %scan3A_31 = %scan3A_11#4, %scan3A_32 = %broadcast_in_dim3A_14, %scan3A_33 = %scan3A_17, %scan3A_34 = %broadcast_in_dim3A_16) -> (vector<128x512xf32>, vector<128x512xi32>, vector<128x512xi32>, i1, vector<128x16xi32>)  : i32 {
      %reduce_min3A = arith.constant dense<0x7F800000> : vector<128xf32>
      %reduce_min3A_35 = vector.multi_reduction <minimumf>, %scan3A_30, %reduce_min3A [1] : vector<128x512xf32> to vector<128xf32>
      %broadcast_in_dim3A_36 = vector.shape_cast %reduce_min3A_35 : vector<128xf32> to vector<128x1xf32>
      %eq3A = vector.broadcast %broadcast_in_dim3A_36 : vector<128x1xf32> to vector<128x512xf32>
      %eq3A_37 = arith.cmpf oeq, %scan3A_30, %eq3A : vector<128x512xf32>
      %jit3A = arith.constant 2147483647 : i32
      %broadcast_in_dim3A_38 = vector.broadcast %jit3A : i32 to vector<128x512xi32>
      %select_n3A = arith.select %eq3A_37, %scan3A_31, %broadcast_in_dim3A_38 : vector<128x512xi1>, vector<128x512xi32>
      %reduce_min3A_39 = arith.constant dense<2147483647> : vector<128xi32>
      %reduce_min3A_40 = vector.multi_reduction <minsi>, %select_n3A, %reduce_min3A_39 [1] : vector<128x512xi32> to vector<128xi32>
      %broadcast_in_dim3A_41 = vector.shape_cast %reduce_min3A_40 : vector<128xi32> to vector<128x1xi32>
      %eq3A_42 = vector.broadcast %broadcast_in_dim3A_41 : vector<128x1xi32> to vector<128x512xi32>
      %eq3A_43 = arith.cmpi eq, %scan3A_31, %eq3A_42 : vector<128x512xi32>
      %and3A = arith.andi %eq3A_37, %eq3A_43 : vector<128x512xi1>
      %iota3A = tpu.iota {dimensions = array<i32: 1>} : vector<128x16xi32>
      %eq3A_44 = vector.broadcast %scan3A_29 : i32 to vector<128x16xi32>
      %eq3A_45 = arith.cmpi eq, %iota3A, %eq3A_44 : vector<128x16xi32>
      %broadcast_in_dim3A_46 = vector.shape_cast %broadcast_in_dim3A_41 : vector<128x1xi32> to vector<128x1xi32>
      %broadcast_in_dim3A_47 = vector.broadcast %broadcast_in_dim3A_46 : vector<128x1xi32> to vector<128x16xi32>
      %select_n3A_48 = arith.select %eq3A_45, %broadcast_in_dim3A_47, %scan3A_34 : vector<128x16xi1>, vector<128x16xi32>
      %eq3A_49 = arith.constant 1 : i32
      %eq3A_50 = vector.broadcast %eq3A_49 : i32 to vector<128x512xi32>
      %eq3A_51 = arith.cmpi eq, %scan3A_32, %eq3A_50 : vector<128x512xi32>
      %eq3A_52 = arith.constant 2 : i32
      %eq3A_53 = vector.broadcast %eq3A_52 : i32 to vector<128x512xi32>
      %eq3A_54 = arith.cmpi eq, %scan3A_32, %eq3A_53 : vector<128x512xi32>
      %eq3A_55 = arith.constant 3 : i32
      %eq3A_56 = vector.broadcast %eq3A_55 : i32 to vector<128x512xi32>
      %eq3A_57 = arith.cmpi eq, %scan3A_32, %eq3A_56 : vector<128x512xi32>
      %jit3A_58 = arith.constant 0x7F800000 : f32
      %broadcast_in_dim3A_59 = vector.broadcast %jit3A_58 : f32 to vector<128x512xf32>
      %select_n3A_60 = arith.select %eq3A_57, %scan3A_11#3, %broadcast_in_dim3A_59 : vector<128x512xi1>, vector<128x512xf32>
      %select_n3A_61 = arith.select %eq3A_54, %scan3A_11#2, %select_n3A_60 : vector<128x512xi1>, vector<128x512xf32>
      %select_n3A_62 = arith.select %eq3A_51, %scan3A_11#1, %select_n3A_61 : vector<128x512xi1>, vector<128x512xf32>
      %eq3A_63 = arith.constant 1 : i32
      %eq3A_64 = vector.broadcast %eq3A_63 : i32 to vector<128x512xi32>
      %eq3A_65 = arith.cmpi eq, %scan3A_32, %eq3A_64 : vector<128x512xi32>
      %eq3A_66 = arith.constant 2 : i32
      %eq3A_67 = vector.broadcast %eq3A_66 : i32 to vector<128x512xi32>
      %eq3A_68 = arith.cmpi eq, %scan3A_32, %eq3A_67 : vector<128x512xi32>
      %eq3A_69 = arith.constant 3 : i32
      %eq3A_70 = vector.broadcast %eq3A_69 : i32 to vector<128x512xi32>
      %eq3A_71 = arith.cmpi eq, %scan3A_32, %eq3A_70 : vector<128x512xi32>
      %jit3A_72 = arith.constant 2147483647 : i32
      %broadcast_in_dim3A_73 = vector.broadcast %jit3A_72 : i32 to vector<128x512xi32>
      %select_n3A_74 = arith.select %eq3A_71, %scan3A_11#7, %broadcast_in_dim3A_73 : vector<128x512xi1>, vector<128x512xi32>
      %select_n3A_75 = arith.select %eq3A_68, %scan3A_11#6, %select_n3A_74 : vector<128x512xi1>, vector<128x512xi32>
      %select_n3A_76 = arith.select %eq3A_65, %scan3A_11#5, %select_n3A_75 : vector<128x512xi1>, vector<128x512xi32>
      %select_n3A_77 = arith.select %and3A, %select_n3A_62, %scan3A_30 : vector<128x512xi1>, vector<128x512xf32>
      %select_n3A_78 = arith.select %and3A, %select_n3A_76, %scan3A_31 : vector<128x512xi1>, vector<128x512xi32>
      %lt3A = arith.constant 15 : i32
      %lt3A_79 = arith.cmpi slt, %scan3A_29, %lt3A : i32
      %ge3A = arith.constant 4 : i32
      %ge3A_80 = vector.broadcast %ge3A : i32 to vector<128x512xi32>
      %ge3A_81 = arith.cmpi sge, %scan3A_32, %ge3A_80 : vector<128x512xi32>
      %and3A_82 = arith.andi %and3A, %ge3A_81 : vector<128x512xi1>
      %reduce_or3A = arith.constant 1.000000e+00 : f32
      %reduce_or3A_83 = arith.constant 0.000000e+00 : f32
      %reduce_or3A_84 = vector.broadcast %reduce_or3A : f32 to vector<128x512xf32>
      %reduce_or3A_85 = vector.broadcast %reduce_or3A_83 : f32 to vector<128x512xf32>
      %reduce_or3A_86 = arith.select %and3A_82, %reduce_or3A_84, %reduce_or3A_85 : vector<128x512xi1>, vector<128x512xf32>
      %reduce_or3A_87 = vector.shape_cast %reduce_or3A_86 : vector<128x512xf32> to vector<1x128x512xf32>
      %reduce_or3A_88 = arith.constant dense<0xFF800000> : vector<1xf32>
      %reduce_or3A_89 = vector.multi_reduction <maximumf>, %reduce_or3A_87, %reduce_or3A_88 [1, 2] : vector<1x128x512xf32> to vector<1xf32>
      %reduce_or3A_90 = vector.shape_cast %reduce_or3A_89 : vector<1xf32> to vector<1x1x1xf32>
      %reduce_or3A_91 = vector.extract %reduce_or3A_90[0, 0, 0] : f32 from vector<1x1x1xf32>
      %reduce_or3A_92 = arith.constant 0.000000e+00 : f32
      %reduce_or3A_93 = arith.cmpf ogt, %reduce_or3A_91, %reduce_or3A_92 : f32
      %and3A_94 = arith.andi %lt3A_79, %reduce_or3A_93 : i1
      %or3A = arith.ori %scan3A_33, %and3A_94 : i1
      %convert_element_type3A_95 = arith.extui %and3A : vector<128x512xi1> to vector<128x512xi32>
      %add3A = arith.addi %scan3A_32, %convert_element_type3A_95 : vector<128x512xi32>
      scf.yield %select_n3A_77, %select_n3A_78, %add3A, %or3A, %select_n3A_48 : vector<128x512xf32>, vector<128x512xi32>, vector<128x512xi32>, i1, vector<128x16xi32>
    }
    %scan3A_23 = arith.constant 16 : i32
    %convert_element_type3A_24 = arith.extui %scan3A_22#3 : i1 to i32
    %cond3A = arith.constant 0 : i32
    %cond3A_25 = arith.cmpi ne, %convert_element_type3A_24, %cond3A : i32
    %cond3A_26 = scf.if %cond3A_25 -> (vector<128x16xi32>) {
      %broadcast_in_dim3A_29 = arith.constant 0x7F800000 : f32
      %broadcast_in_dim3A_30 = vector.broadcast %broadcast_in_dim3A_29 : f32 to vector<128x1xf32>
      %scan3A_31 = arith.constant 0 : i32
      %scan3A_32 = arith.constant 4 : i32
      %scan3A_33 = arith.addi %scan3A_31, %scan3A_32 : i32
      %scan3A_34 = arith.constant 1 : i32
      %scan3A_35 = scf.for %scan3A_45 = %scan3A_31 to %scan3A_33 step %scan3A_34 iter_args(%scan3A_46 = %broadcast_in_dim3A_30) -> (vector<128x1xf32>)  : i32 {
        %mul3A_47 = arith.constant 8192 : i32
        %mul3A_48 = arith.muli %scan3A_45, %mul3A_47 : i32
        %get3A_49 = arith.constant 0 : index
        %get3A_50 = arith.index_cast %mul3A_48 : i32 to index
        %get3A_51 = vector.load %arg4[%get3A_49, %get3A_50] : memref<128x32768xf32, #tpu.memory_space<vmem>>, vector<128x8192xf32>
        %reduce_min3A = arith.constant dense<0x7F800000> : vector<128xf32>
        %reduce_min3A_52 = vector.multi_reduction <minimumf>, %get3A_51, %reduce_min3A [1] : vector<128x8192xf32> to vector<128xf32>
        %broadcast_in_dim3A_53 = vector.shape_cast %reduce_min3A_52 : vector<128xf32> to vector<128x1xf32>
        %min3A = arith.minimumf %scan3A_46, %broadcast_in_dim3A_53 : vector<128x1xf32>
        scf.yield %min3A : vector<128x1xf32>
      }
      %scan3A_36 = arith.constant 4 : i32
      %broadcast_in_dim3A_37 = arith.constant 0 : i32
      %broadcast_in_dim3A_38 = vector.broadcast %broadcast_in_dim3A_37 : i32 to vector<128x16xi32>
      %scan3A_39 = arith.constant 0 : i32
      %scan3A_40 = arith.constant 16 : i32
      %scan3A_41 = arith.addi %scan3A_39, %scan3A_40 : i32
      %scan3A_42 = arith.constant 1 : i32
      %scan3A_43:2 = scf.for %scan3A_45 = %scan3A_39 to %scan3A_41 step %scan3A_42 iter_args(%scan3A_46 = %scan3A_35, %scan3A_47 = %broadcast_in_dim3A_38) -> (vector<128x1xf32>, vector<128x16xi32>)  : i32 {
        %broadcast_in_dim3A_48 = arith.constant 2147483647 : i32
        %broadcast_in_dim3A_49 = vector.broadcast %broadcast_in_dim3A_48 : i32 to vector<128x1xi32>
        %scan3A_50 = arith.constant 0 : i32
        %scan3A_51 = arith.constant 4 : i32
        %scan3A_52 = arith.addi %scan3A_50, %scan3A_51 : i32
        %scan3A_53 = arith.constant 1 : i32
        %scan3A_54 = scf.for %scan3A_67 = %scan3A_50 to %scan3A_52 step %scan3A_53 iter_args(%scan3A_68 = %broadcast_in_dim3A_49) -> (vector<128x1xi32>)  : i32 {
          %mul3A_69 = arith.constant 8192 : i32
          %mul3A_70 = arith.muli %scan3A_67, %mul3A_69 : i32
          %get3A_71 = arith.constant 0 : index
          %get3A_72 = arith.index_cast %mul3A_70 : i32 to index
          %get3A_73 = vector.load %arg4[%get3A_71, %get3A_72] : memref<128x32768xf32, #tpu.memory_space<vmem>>, vector<128x8192xf32>
          %iota3A_74 = tpu.iota {dimensions = array<i32: 1>} : vector<128x8192xi32>
          %mul3A_75 = arith.constant 8192 : i32
          %mul3A_76 = arith.muli %scan3A_67, %mul3A_75 : i32
          %add3A = vector.broadcast %mul3A_76 : i32 to vector<128x8192xi32>
          %add3A_77 = arith.addi %iota3A_74, %add3A : vector<128x8192xi32>
          %eq3A_78 = vector.broadcast %scan3A_46 : vector<128x1xf32> to vector<128x8192xf32>
          %eq3A_79 = arith.cmpf oeq, %get3A_73, %eq3A_78 : vector<128x8192xf32>
          %jit3A = arith.constant 2147483647 : i32
          %broadcast_in_dim3A_80 = vector.broadcast %jit3A : i32 to vector<128x8192xi32>
          %select_n3A_81 = arith.select %eq3A_79, %add3A_77, %broadcast_in_dim3A_80 : vector<128x8192xi1>, vector<128x8192xi32>
          %reduce_min3A = arith.constant dense<2147483647> : vector<128xi32>
          %reduce_min3A_82 = vector.multi_reduction <minsi>, %select_n3A_81, %reduce_min3A [1] : vector<128x8192xi32> to vector<128xi32>
          %broadcast_in_dim3A_83 = vector.shape_cast %reduce_min3A_82 : vector<128xi32> to vector<128x1xi32>
          %min3A = arith.minsi %scan3A_68, %broadcast_in_dim3A_83 : vector<128x1xi32>
          scf.yield %min3A : vector<128x1xi32>
        }
        %scan3A_55 = arith.constant 4 : i32
        %broadcast_in_dim3A_56 = arith.constant 0x7F800000 : f32
        %broadcast_in_dim3A_57 = vector.broadcast %broadcast_in_dim3A_56 : f32 to vector<128x1xf32>
        %scan3A_58 = arith.constant 0 : i32
        %scan3A_59 = arith.constant 4 : i32
        %scan3A_60 = arith.addi %scan3A_58, %scan3A_59 : i32
        %scan3A_61 = arith.constant 1 : i32
        %scan3A_62 = scf.for %scan3A_67 = %scan3A_58 to %scan3A_60 step %scan3A_61 iter_args(%scan3A_68 = %broadcast_in_dim3A_57) -> (vector<128x1xf32>)  : i32 {
          %mul3A_69 = arith.constant 8192 : i32
          %mul3A_70 = arith.muli %scan3A_67, %mul3A_69 : i32
          %get3A_71 = arith.constant 0 : index
          %get3A_72 = arith.index_cast %mul3A_70 : i32 to index
          %get3A_73 = vector.load %arg4[%get3A_71, %get3A_72] : memref<128x32768xf32, #tpu.memory_space<vmem>>, vector<128x8192xf32>
          %iota3A_74 = tpu.iota {dimensions = array<i32: 1>} : vector<128x8192xi32>
          %mul3A_75 = arith.constant 8192 : i32
          %mul3A_76 = arith.muli %scan3A_67, %mul3A_75 : i32
          %add3A = vector.broadcast %mul3A_76 : i32 to vector<128x8192xi32>
          %add3A_77 = arith.addi %iota3A_74, %add3A : vector<128x8192xi32>
          %eq3A_78 = vector.broadcast %scan3A_46 : vector<128x1xf32> to vector<128x8192xf32>
          %eq3A_79 = arith.cmpf oeq, %get3A_73, %eq3A_78 : vector<128x8192xf32>
          %eq3A_80 = vector.broadcast %scan3A_54 : vector<128x1xi32> to vector<128x8192xi32>
          %eq3A_81 = arith.cmpi eq, %add3A_77, %eq3A_80 : vector<128x8192xi32>
          %and3A = arith.andi %eq3A_79, %eq3A_81 : vector<128x8192xi1>
          %jit3A = arith.constant 0x7F800000 : f32
          %broadcast_in_dim3A_82 = vector.broadcast %jit3A : f32 to vector<128x8192xf32>
          %select_n3A_83 = arith.select %and3A, %broadcast_in_dim3A_82, %get3A_73 : vector<128x8192xi1>, vector<128x8192xf32>
          %swap3A_84 = arith.constant 0 : index
          %swap3A_85 = arith.index_cast %mul3A_70 : i32 to index
          %swap3A_86 = vector.load %arg4[%swap3A_84, %swap3A_85] : memref<128x32768xf32, #tpu.memory_space<vmem>>, vector<128x8192xf32>
          tpu.vector_store %arg4[%swap3A_84, %swap3A_85], %select_n3A_83 {strides = array<i32>} : memref<128x32768xf32, #tpu.memory_space<vmem>>, vector<128x8192xf32>,
          %reduce_min3A = arith.constant dense<0x7F800000> : vector<128xf32>
          %reduce_min3A_87 = vector.multi_reduction <minimumf>, %select_n3A_83, %reduce_min3A [1] : vector<128x8192xf32> to vector<128xf32>
          %broadcast_in_dim3A_88 = vector.shape_cast %reduce_min3A_87 : vector<128xf32> to vector<128x1xf32>
          %min3A = arith.minimumf %scan3A_68, %broadcast_in_dim3A_88 : vector<128x1xf32>
          scf.yield %min3A : vector<128x1xf32>
        }
        %scan3A_63 = arith.constant 4 : i32
        %iota3A = tpu.iota {dimensions = array<i32: 1>} : vector<128x16xi32>
        %eq3A = vector.broadcast %scan3A_45 : i32 to vector<128x16xi32>
        %eq3A_64 = arith.cmpi eq, %iota3A, %eq3A : vector<128x16xi32>
        %broadcast_in_dim3A_65 = vector.shape_cast %scan3A_54 : vector<128x1xi32> to vector<128x1xi32>
        %broadcast_in_dim3A_66 = vector.broadcast %broadcast_in_dim3A_65 : vector<128x1xi32> to vector<128x16xi32>
        %select_n3A = arith.select %eq3A_64, %broadcast_in_dim3A_66, %scan3A_47 : vector<128x16xi1>, vector<128x16xi32>
        scf.yield %scan3A_62, %select_n3A : vector<128x1xf32>, vector<128x16xi32>
      }
      %scan3A_44 = arith.constant 16 : i32
      scf.yield %scan3A_43#1 : vector<128x16xi32>
    } else {
      scf.yield %scan3A_22#4 : vector<128x16xi32>
    }
    %swap3A = arith.constant 0 : index
    %swap3A_27 = arith.constant 0 : index
    %swap3A_28 = vector.load %arg3[%swap3A, %swap3A_27] : memref<128x16xi32, #tpu.memory_space<vmem>>, vector<128x16xi32>
    tpu.vector_store %arg3[%swap3A, %swap3A_27], %cond3A_26 {strides = array<i32>} : memref<128x16xi32, #tpu.memory_space<vmem>>, vector<128x16xi32>,
    return
  }
  func.func @transform_0(%arg0: i32) -> (i32, i32) {
    %c0_i32 = arith.constant 0 : i32
    %c0_i32_0 = arith.constant 0 : i32
    return %arg0, %c0_i32 : i32, i32
  }
  func.func @transform_1(%arg0: i32) -> (i32, i32) {
    %c0_i32 = arith.constant 0 : i32
    %c0_i32_0 = arith.constant 0 : i32
    %c0_i32_1 = arith.constant 0 : i32
    return %c0_i32, %c0_i32_0 : i32, i32
  }
  func.func @transform_2(%arg0: i32) -> (i32, i32) {
    %c0_i32 = arith.constant 0 : i32
    %c0_i32_0 = arith.constant 0 : i32
    return %arg0, %c0_i32 : i32, i32
  }
}

module attributes {stable_mosaic.version = 14 : i64} {
  func.func @_mlp_body(%arg0: i32, %arg1: memref<4096x32xf32, #tpu.memory_space<vmem>>, %arg2: memref<4096x16xf32, #tpu.memory_space<vmem>>, %arg3: memref<256x16xf32, #tpu.memory_space<vmem>>, %arg4: memref<3x65x65xf32, #tpu.memory_space<vmem>>, %arg5: memref<3x65xf32, #tpu.memory_space<vmem>>, %arg6: memref<3x65x32xf32, #tpu.memory_space<vmem>>, %arg7: memref<3x32xf32, #tpu.memory_space<vmem>>, %arg8: memref<3x32xf32, #tpu.memory_space<vmem>>, %arg9: memref<3x32xf32, #tpu.memory_space<vmem>>, %arg10: memref<256x32xf32, #tpu.memory_space<vmem>>) attributes {dimension_semantics = [#tpu.dimension_semantics<arbitrary>], iteration_bounds = array<i64: 32>, scalar_prefetch = 0 : i64, scratch_operands = 0 : i64, tpu.core_type = #tpu.core_type<tc>, window_params = [{transform_indices = @transform_0, window_bounds = array<i64: 4096, 32>}, {transform_indices = @transform_1, window_bounds = array<i64: 4096, 16>}, {transform_indices = @transform_2, window_bounds = array<i64: 256, 16>}, {pipeline_mode = #tpu.pipeline_mode<synchronous>, transform_indices = @transform_3, window_bounds = array<i64: 3, 65, 65>}, {pipeline_mode = #tpu.pipeline_mode<synchronous>, transform_indices = @transform_4, window_bounds = array<i64: 3, 65>}, {pipeline_mode = #tpu.pipeline_mode<synchronous>, transform_indices = @transform_5, window_bounds = array<i64: 3, 65, 32>}, {pipeline_mode = #tpu.pipeline_mode<synchronous>, transform_indices = @transform_6, window_bounds = array<i64: 3, 32>}, {pipeline_mode = #tpu.pipeline_mode<synchronous>, transform_indices = @transform_7, window_bounds = array<i64: 3, 32>}, {pipeline_mode = #tpu.pipeline_mode<synchronous>, transform_indices = @transform_8, window_bounds = array<i64: 3, 32>}, {transform_indices = @transform_9, window_bounds = array<i64: 256, 32>}]} {
    %get3A = arith.constant 0 : index
    %get3A_0 = arith.constant 0 : index
    %get3A_1 = vector.load %arg3[%get3A, %get3A_0] : memref<256x16xf32, #tpu.memory_space<vmem>>, vector<256x16xf32>
    %broadcast_in_dim3A = vector.shape_cast %get3A_1 : vector<256x16xf32> to vector<256x1x16xf32>
    %broadcast_in_dim3A_2 = vector.shape_cast %broadcast_in_dim3A : vector<256x1x16xf32> to vector<256x1x16xf32>
    %broadcast_in_dim3A_3 = vector.broadcast %broadcast_in_dim3A_2 : vector<256x1x16xf32> to vector<256x16x16xf32>
    %get3A_4 = arith.constant 0 : index
    %get3A_5 = arith.constant 0 : index
    %get3A_6 = vector.load %arg2[%get3A_4, %get3A_5] : memref<4096x16xf32, #tpu.memory_space<vmem>>, vector<4096x16xf32>
    %reshape3A = vector.shape_cast %broadcast_in_dim3A_3 : vector<256x16x16xf32> to vector<4096x16xf32>
    %sub3A = arith.subf %get3A_6, %reshape3A : vector<4096x16xf32>
    %mul3A = arith.mulf %sub3A, %sub3A : vector<4096x16xf32>
    %reduce_sum3A = arith.constant dense<0.000000e+00> : vector<4096xf32>
    %reduce_sum3A_7 = vector.multi_reduction <add>, %mul3A, %reduce_sum3A [1] : vector<4096x16xf32> to vector<4096xf32>
    %broadcast_in_dim3A_8 = vector.shape_cast %reduce_sum3A_7 : vector<4096xf32> to vector<4096x1xf32>
    %get3A_9 = arith.constant 0 : index
    %get3A_10 = arith.constant 0 : index
    %get3A_11 = vector.load %arg1[%get3A_9, %get3A_10] : memref<4096x32xf32, #tpu.memory_space<vmem>>, vector<4096x32xf32>
    %concatenate3A = tpu.concatenate %get3A_11, %broadcast_in_dim3A_8 in 1 : vector<4096x32xf32>, vector<4096x1xf32> -> vector<4096x33xf32>
    %broadcast_in_dim3A_12 = arith.constant 1.000000e+00 : f32
    %broadcast_in_dim3A_13 = vector.broadcast %broadcast_in_dim3A_12 : f32 to vector<256x32xf32>
    %get3A_14 = arith.constant 0 : index
    %get3A_15 = arith.constant 0 : index
    %get3A_16 = arith.constant 0 : index
    %get3A_17 = vector.load %arg4[%get3A_14, %get3A_15, %get3A_16] : memref<3x65x65xf32, #tpu.memory_space<vmem>>, vector<1x65x65xf32>
    %get3A_18 = vector.shape_cast %get3A_17 : vector<1x65x65xf32> to vector<65x65xf32>
    %slice3A = vector.extract_strided_slice %get3A_18 {offsets = [32, 0], sizes = [33, 65], strides = [1, 1]} : vector<65x65xf32> to vector<33x65xf32>
    %convert_element_type3A = arith.truncf %concatenate3A : vector<4096x33xf32> to vector<4096x33xbf16>
    %convert_element_type3A_19 = arith.extf %convert_element_type3A : vector<4096x33xbf16> to vector<4096x33xf32>
    %sub3A_20 = arith.subf %concatenate3A, %convert_element_type3A_19 : vector<4096x33xf32>
    %convert_element_type3A_21 = arith.truncf %sub3A_20 : vector<4096x33xf32> to vector<4096x33xbf16>
    %convert_element_type3A_22 = arith.truncf %slice3A : vector<33x65xf32> to vector<33x65xbf16>
    %convert_element_type3A_23 = arith.extf %convert_element_type3A_22 : vector<33x65xbf16> to vector<33x65xf32>
    %sub3A_24 = arith.subf %slice3A, %convert_element_type3A_23 : vector<33x65xf32>
    %convert_element_type3A_25 = arith.truncf %sub3A_24 : vector<33x65xf32> to vector<33x65xbf16>
    %dot_general3A = arith.constant dense<0.000000e+00> : vector<4096x65xf32>
    %dot_general3A_26 = tpu.matmul %convert_element_type3A, %convert_element_type3A_22, %dot_general3A {dimension_numbers = #tpu.dot_dimension_numbers<[1], [0], [0], [1], [0, 0, 1, 1], [], []>, transpose_lhs_hint = false} : vector<4096x33xbf16>, vector<33x65xbf16>, vector<4096x65xf32> -> vector<4096x65xf32>
    %dot_general3A_27 = arith.constant dense<0.000000e+00> : vector<4096x65xf32>
    %dot_general3A_28 = tpu.matmul %convert_element_type3A, %convert_element_type3A_25, %dot_general3A_27 {dimension_numbers = #tpu.dot_dimension_numbers<[1], [0], [0], [1], [0, 0, 1, 1], [], []>, transpose_lhs_hint = false} : vector<4096x33xbf16>, vector<33x65xbf16>, vector<4096x65xf32> -> vector<4096x65xf32>
    %add3A = arith.addf %dot_general3A_26, %dot_general3A_28 : vector<4096x65xf32>
    %dot_general3A_29 = arith.constant dense<0.000000e+00> : vector<4096x65xf32>
    %dot_general3A_30 = tpu.matmul %convert_element_type3A_21, %convert_element_type3A_22, %dot_general3A_29 {dimension_numbers = #tpu.dot_dimension_numbers<[1], [0], [0], [1], [0, 0, 1, 1], [], []>, transpose_lhs_hint = false} : vector<4096x33xbf16>, vector<33x65xbf16>, vector<4096x65xf32> -> vector<4096x65xf32>
    %add3A_31 = arith.addf %add3A, %dot_general3A_30 : vector<4096x65xf32>
    %slice3A_32 = vector.extract_strided_slice %get3A_18 {offsets = [0, 0], sizes = [32, 65], strides = [1, 1]} : vector<65x65xf32> to vector<32x65xf32>
    %convert_element_type3A_33 = arith.truncf %broadcast_in_dim3A_13 : vector<256x32xf32> to vector<256x32xbf16>
    %convert_element_type3A_34 = arith.extf %convert_element_type3A_33 : vector<256x32xbf16> to vector<256x32xf32>
    %sub3A_35 = arith.subf %broadcast_in_dim3A_13, %convert_element_type3A_34 : vector<256x32xf32>
    %convert_element_type3A_36 = arith.truncf %sub3A_35 : vector<256x32xf32> to vector<256x32xbf16>
    %convert_element_type3A_37 = arith.truncf %slice3A_32 : vector<32x65xf32> to vector<32x65xbf16>
    %convert_element_type3A_38 = arith.extf %convert_element_type3A_37 : vector<32x65xbf16> to vector<32x65xf32>
    %sub3A_39 = arith.subf %slice3A_32, %convert_element_type3A_38 : vector<32x65xf32>
    %convert_element_type3A_40 = arith.truncf %sub3A_39 : vector<32x65xf32> to vector<32x65xbf16>
    %dot_general3A_41 = arith.constant dense<0.000000e+00> : vector<256x65xf32>
    %dot_general3A_42 = tpu.matmul %convert_element_type3A_33, %convert_element_type3A_37, %dot_general3A_41 {dimension_numbers = #tpu.dot_dimension_numbers<[1], [0], [0], [1], [0, 0, 1, 1], [], []>, transpose_lhs_hint = false} : vector<256x32xbf16>, vector<32x65xbf16>, vector<256x65xf32> -> vector<256x65xf32>
    %dot_general3A_43 = arith.constant dense<0.000000e+00> : vector<256x65xf32>
    %dot_general3A_44 = tpu.matmul %convert_element_type3A_33, %convert_element_type3A_40, %dot_general3A_43 {dimension_numbers = #tpu.dot_dimension_numbers<[1], [0], [0], [1], [0, 0, 1, 1], [], []>, transpose_lhs_hint = false} : vector<256x32xbf16>, vector<32x65xbf16>, vector<256x65xf32> -> vector<256x65xf32>
    %add3A_45 = arith.addf %dot_general3A_42, %dot_general3A_44 : vector<256x65xf32>
    %dot_general3A_46 = arith.constant dense<0.000000e+00> : vector<256x65xf32>
    %dot_general3A_47 = tpu.matmul %convert_element_type3A_36, %convert_element_type3A_37, %dot_general3A_46 {dimension_numbers = #tpu.dot_dimension_numbers<[1], [0], [0], [1], [0, 0, 1, 1], [], []>, transpose_lhs_hint = false} : vector<256x32xbf16>, vector<32x65xbf16>, vector<256x65xf32> -> vector<256x65xf32>
    %add3A_48 = arith.addf %add3A_45, %dot_general3A_47 : vector<256x65xf32>
    %reshape3A_49 = vector.shape_cast %add3A_31 : vector<4096x65xf32> to vector<256x16x65xf32>
    %broadcast_in_dim3A_50 = vector.shape_cast %add3A_48 : vector<256x65xf32> to vector<256x1x65xf32>
    %add3A_51 = vector.broadcast %broadcast_in_dim3A_50 : vector<256x1x65xf32> to vector<256x16x65xf32>
    %add3A_52 = arith.addf %reshape3A_49, %add3A_51 : vector<256x16x65xf32>
    %get3A_53 = arith.constant 0 : index
    %get3A_54 = arith.constant 0 : index
    %get3A_55 = vector.load %arg5[%get3A_53, %get3A_54] : memref<3x65xf32, #tpu.memory_space<vmem>>, vector<1x65xf32>
    %get3A_56 = vector.shape_cast %get3A_55 : vector<1x65xf32> to vector<65xf32>
    %broadcast_in_dim3A_57 = vector.shape_cast %get3A_56 : vector<65xf32> to vector<1x1x65xf32>
    %add3A_58 = vector.broadcast %broadcast_in_dim3A_57 : vector<1x1x65xf32> to vector<256x16x65xf32>
    %add3A_59 = arith.addf %add3A_52, %add3A_58 : vector<256x16x65xf32>
    %ge3A = arith.constant 0.000000e+00 : f32
    %ge3A_60 = vector.broadcast %ge3A : f32 to vector<256x16x65xf32>
    %ge3A_61 = arith.cmpf oge, %add3A_59, %ge3A_60 : vector<256x16x65xf32>
    %mul3A_62 = arith.constant 2.000000e-01 : f32
    %mul3A_63 = vector.broadcast %mul3A_62 : f32 to vector<256x16x65xf32>
    %mul3A_64 = arith.mulf %mul3A_63, %add3A_59 : vector<256x16x65xf32>
    %select_n3A = arith.select %ge3A_61, %add3A_59, %mul3A_64 : vector<256x16x65xi1>, vector<256x16x65xf32>
    %reshape3A_65 = vector.shape_cast %select_n3A : vector<256x16x65xf32> to vector<4096x65xf32>
    %get3A_66 = arith.constant 0 : index
    %get3A_67 = arith.constant 0 : index
    %get3A_68 = arith.constant 0 : index
    %get3A_69 = vector.load %arg6[%get3A_66, %get3A_67, %get3A_68] : memref<3x65x32xf32, #tpu.memory_space<vmem>>, vector<1x65x32xf32>
    %get3A_70 = vector.shape_cast %get3A_69 : vector<1x65x32xf32> to vector<65x32xf32>
    %convert_element_type3A_71 = arith.truncf %reshape3A_65 : vector<4096x65xf32> to vector<4096x65xbf16>
    %convert_element_type3A_72 = arith.extf %convert_element_type3A_71 : vector<4096x65xbf16> to vector<4096x65xf32>
    %sub3A_73 = arith.subf %reshape3A_65, %convert_element_type3A_72 : vector<4096x65xf32>
    %convert_element_type3A_74 = arith.truncf %sub3A_73 : vector<4096x65xf32> to vector<4096x65xbf16>
    %convert_element_type3A_75 = arith.truncf %get3A_70 : vector<65x32xf32> to vector<65x32xbf16>
    %convert_element_type3A_76 = arith.extf %convert_element_type3A_75 : vector<65x32xbf16> to vector<65x32xf32>
    %sub3A_77 = arith.subf %get3A_70, %convert_element_type3A_76 : vector<65x32xf32>
    %convert_element_type3A_78 = arith.truncf %sub3A_77 : vector<65x32xf32> to vector<65x32xbf16>
    %dot_general3A_79 = arith.constant dense<0.000000e+00> : vector<4096x32xf32>
    %dot_general3A_80 = tpu.matmul %convert_element_type3A_71, %convert_element_type3A_75, %dot_general3A_79 {dimension_numbers = #tpu.dot_dimension_numbers<[1], [0], [0], [1], [0, 0, 1, 1], [], []>, transpose_lhs_hint = false} : vector<4096x65xbf16>, vector<65x32xbf16>, vector<4096x32xf32> -> vector<4096x32xf32>
    %dot_general3A_81 = arith.constant dense<0.000000e+00> : vector<4096x32xf32>
    %dot_general3A_82 = tpu.matmul %convert_element_type3A_71, %convert_element_type3A_78, %dot_general3A_81 {dimension_numbers = #tpu.dot_dimension_numbers<[1], [0], [0], [1], [0, 0, 1, 1], [], []>, transpose_lhs_hint = false} : vector<4096x65xbf16>, vector<65x32xbf16>, vector<4096x32xf32> -> vector<4096x32xf32>
    %add3A_83 = arith.addf %dot_general3A_80, %dot_general3A_82 : vector<4096x32xf32>
    %dot_general3A_84 = arith.constant dense<0.000000e+00> : vector<4096x32xf32>
    %dot_general3A_85 = tpu.matmul %convert_element_type3A_74, %convert_element_type3A_75, %dot_general3A_84 {dimension_numbers = #tpu.dot_dimension_numbers<[1], [0], [0], [1], [0, 0, 1, 1], [], []>, transpose_lhs_hint = false} : vector<4096x65xbf16>, vector<65x32xbf16>, vector<4096x32xf32> -> vector<4096x32xf32>
    %add3A_86 = arith.addf %add3A_83, %dot_general3A_85 : vector<4096x32xf32>
    %reshape3A_87 = vector.shape_cast %add3A_86 : vector<4096x32xf32> to vector<256x16x32xf32>
    %reduce_sum3A_88 = arith.constant dense<0.000000e+00> : vector<256x32xf32>
    %reduce_sum3A_89 = vector.multi_reduction <add>, %reshape3A_87, %reduce_sum3A_88 [1] : vector<256x16x32xf32> to vector<256x32xf32>
    %get3A_90 = arith.constant 0 : index
    %get3A_91 = arith.constant 0 : index
    %get3A_92 = vector.load %arg7[%get3A_90, %get3A_91] : memref<3x32xf32, #tpu.memory_space<vmem>>, vector<1x32xf32>
    %get3A_93 = vector.shape_cast %get3A_92 : vector<1x32xf32> to vector<32xf32>
    %broadcast_in_dim3A_94 = vector.shape_cast %get3A_93 : vector<32xf32> to vector<1x32xf32>
    %mul3A_95 = arith.constant 1.600000e+01 : f32
    %mul3A_96 = vector.broadcast %mul3A_95 : f32 to vector<1x32xf32>
    %mul3A_97 = arith.mulf %mul3A_96, %broadcast_in_dim3A_94 : vector<1x32xf32>
    %add3A_98 = vector.broadcast %mul3A_97 : vector<1x32xf32> to vector<256x32xf32>
    %add3A_99 = arith.addf %reduce_sum3A_89, %add3A_98 : vector<256x32xf32>
    %slice3A_100 = vector.extract_strided_slice %add3A_99 {offsets = [0, 0], sizes = [256, 16], strides = [1, 1]} : vector<256x32xf32> to vector<256x16xf32>
    %reduce_sum3A_101 = arith.constant dense<0.000000e+00> : vector<256xf32>
    %reduce_sum3A_102 = vector.multi_reduction <add>, %slice3A_100, %reduce_sum3A_101 [1] : vector<256x16xf32> to vector<256xf32>
    %broadcast_in_dim3A_103 = vector.shape_cast %reduce_sum3A_102 : vector<256xf32> to vector<256x1xf32>
    %div3A = arith.constant 1.600000e+01 : f32
    %div3A_104 = vector.broadcast %div3A : f32 to vector<256x1xf32>
    %div3A_105 = arith.divf %broadcast_in_dim3A_103, %div3A_104 : vector<256x1xf32>
    %sub3A_106 = vector.broadcast %div3A_105 : vector<256x1xf32> to vector<256x16xf32>
    %sub3A_107 = arith.subf %slice3A_100, %sub3A_106 : vector<256x16xf32>
    %mul3A_108 = arith.mulf %sub3A_107, %sub3A_107 : vector<256x16xf32>
    %reduce_sum3A_109 = arith.constant dense<0.000000e+00> : vector<256xf32>
    %reduce_sum3A_110 = vector.multi_reduction <add>, %mul3A_108, %reduce_sum3A_109 [1] : vector<256x16xf32> to vector<256xf32>
    %broadcast_in_dim3A_111 = vector.shape_cast %reduce_sum3A_110 : vector<256xf32> to vector<256x1xf32>
    %div3A_112 = arith.constant 1.600000e+01 : f32
    %div3A_113 = vector.broadcast %div3A_112 : f32 to vector<256x1xf32>
    %div3A_114 = arith.divf %broadcast_in_dim3A_111, %div3A_113 : vector<256x1xf32>
    %add3A_115 = arith.constant 9.99999974E-6 : f32
    %add3A_116 = vector.broadcast %add3A_115 : f32 to vector<256x1xf32>
    %add3A_117 = arith.addf %div3A_114, %add3A_116 : vector<256x1xf32>
    %rsqrt3A = math.rsqrt %add3A_117 : vector<256x1xf32>
    %mul3A_118 = vector.broadcast %rsqrt3A : vector<256x1xf32> to vector<256x16xf32>
    %mul3A_119 = arith.mulf %sub3A_107, %mul3A_118 : vector<256x16xf32>
    %slice3A_120 = vector.extract_strided_slice %add3A_99 {offsets = [0, 16], sizes = [256, 16], strides = [1, 1]} : vector<256x32xf32> to vector<256x16xf32>
    %reduce_sum3A_121 = arith.constant dense<0.000000e+00> : vector<256xf32>
    %reduce_sum3A_122 = vector.multi_reduction <add>, %slice3A_120, %reduce_sum3A_121 [1] : vector<256x16xf32> to vector<256xf32>
    %broadcast_in_dim3A_123 = vector.shape_cast %reduce_sum3A_122 : vector<256xf32> to vector<256x1xf32>
    %div3A_124 = arith.constant 1.600000e+01 : f32
    %div3A_125 = vector.broadcast %div3A_124 : f32 to vector<256x1xf32>
    %div3A_126 = arith.divf %broadcast_in_dim3A_123, %div3A_125 : vector<256x1xf32>
    %sub3A_127 = vector.broadcast %div3A_126 : vector<256x1xf32> to vector<256x16xf32>
    %sub3A_128 = arith.subf %slice3A_120, %sub3A_127 : vector<256x16xf32>
    %mul3A_129 = arith.mulf %sub3A_128, %sub3A_128 : vector<256x16xf32>
    %reduce_sum3A_130 = arith.constant dense<0.000000e+00> : vector<256xf32>
    %reduce_sum3A_131 = vector.multi_reduction <add>, %mul3A_129, %reduce_sum3A_130 [1] : vector<256x16xf32> to vector<256xf32>
    %broadcast_in_dim3A_132 = vector.shape_cast %reduce_sum3A_131 : vector<256xf32> to vector<256x1xf32>
    %div3A_133 = arith.constant 1.600000e+01 : f32
    %div3A_134 = vector.broadcast %div3A_133 : f32 to vector<256x1xf32>
    %div3A_135 = arith.divf %broadcast_in_dim3A_132, %div3A_134 : vector<256x1xf32>
    %add3A_136 = arith.constant 9.99999974E-6 : f32
    %add3A_137 = vector.broadcast %add3A_136 : f32 to vector<256x1xf32>
    %add3A_138 = arith.addf %div3A_135, %add3A_137 : vector<256x1xf32>
    %rsqrt3A_139 = math.rsqrt %add3A_138 : vector<256x1xf32>
    %mul3A_140 = vector.broadcast %rsqrt3A_139 : vector<256x1xf32> to vector<256x16xf32>
    %mul3A_141 = arith.mulf %sub3A_128, %mul3A_140 : vector<256x16xf32>
    %concatenate3A_142 = tpu.concatenate %mul3A_119, %mul3A_141 in 1 : vector<256x16xf32>, vector<256x16xf32> -> vector<256x32xf32>
    %get3A_143 = arith.constant 0 : index
    %get3A_144 = arith.constant 0 : index
    %get3A_145 = vector.load %arg8[%get3A_143, %get3A_144] : memref<3x32xf32, #tpu.memory_space<vmem>>, vector<1x32xf32>
    %get3A_146 = vector.shape_cast %get3A_145 : vector<1x32xf32> to vector<32xf32>
    %broadcast_in_dim3A_147 = vector.shape_cast %get3A_146 : vector<32xf32> to vector<1x32xf32>
    %mul3A_148 = vector.broadcast %broadcast_in_dim3A_147 : vector<1x32xf32> to vector<256x32xf32>
    %mul3A_149 = arith.mulf %concatenate3A_142, %mul3A_148 : vector<256x32xf32>
    %get3A_150 = arith.constant 0 : index
    %get3A_151 = arith.constant 0 : index
    %get3A_152 = vector.load %arg9[%get3A_150, %get3A_151] : memref<3x32xf32, #tpu.memory_space<vmem>>, vector<1x32xf32>
    %get3A_153 = vector.shape_cast %get3A_152 : vector<1x32xf32> to vector<32xf32>
    %broadcast_in_dim3A_154 = vector.shape_cast %get3A_153 : vector<32xf32> to vector<1x32xf32>
    %add3A_155 = vector.broadcast %broadcast_in_dim3A_154 : vector<1x32xf32> to vector<256x32xf32>
    %add3A_156 = arith.addf %mul3A_149, %add3A_155 : vector<256x32xf32>
    %ge3A_157 = arith.constant 0.000000e+00 : f32
    %ge3A_158 = vector.broadcast %ge3A_157 : f32 to vector<256x32xf32>
    %ge3A_159 = arith.cmpf oge, %add3A_156, %ge3A_158 : vector<256x32xf32>
    %mul3A_160 = arith.constant 2.000000e-01 : f32
    %mul3A_161 = vector.broadcast %mul3A_160 : f32 to vector<256x32xf32>
    %mul3A_162 = arith.mulf %mul3A_161, %add3A_156 : vector<256x32xf32>
    %select_n3A_163 = arith.select %ge3A_159, %add3A_156, %mul3A_162 : vector<256x32xi1>, vector<256x32xf32>
    %add3A_164 = arith.addf %broadcast_in_dim3A_13, %select_n3A_163 : vector<256x32xf32>
    %get3A_165 = arith.constant 1 : index
    %get3A_166 = arith.constant 0 : index
    %get3A_167 = arith.constant 0 : index
    %get3A_168 = vector.load %arg4[%get3A_165, %get3A_166, %get3A_167] : memref<3x65x65xf32, #tpu.memory_space<vmem>>, vector<1x65x65xf32>
    %get3A_169 = vector.shape_cast %get3A_168 : vector<1x65x65xf32> to vector<65x65xf32>
    %slice3A_170 = vector.extract_strided_slice %get3A_169 {offsets = [32, 0], sizes = [33, 65], strides = [1, 1]} : vector<65x65xf32> to vector<33x65xf32>
    %convert_element_type3A_171 = arith.truncf %concatenate3A : vector<4096x33xf32> to vector<4096x33xbf16>
    %convert_element_type3A_172 = arith.extf %convert_element_type3A_171 : vector<4096x33xbf16> to vector<4096x33xf32>
    %sub3A_173 = arith.subf %concatenate3A, %convert_element_type3A_172 : vector<4096x33xf32>
    %convert_element_type3A_174 = arith.truncf %sub3A_173 : vector<4096x33xf32> to vector<4096x33xbf16>
    %convert_element_type3A_175 = arith.truncf %slice3A_170 : vector<33x65xf32> to vector<33x65xbf16>
    %convert_element_type3A_176 = arith.extf %convert_element_type3A_175 : vector<33x65xbf16> to vector<33x65xf32>
    %sub3A_177 = arith.subf %slice3A_170, %convert_element_type3A_176 : vector<33x65xf32>
    %convert_element_type3A_178 = arith.truncf %sub3A_177 : vector<33x65xf32> to vector<33x65xbf16>
    %dot_general3A_179 = arith.constant dense<0.000000e+00> : vector<4096x65xf32>
    %dot_general3A_180 = tpu.matmul %convert_element_type3A_171, %convert_element_type3A_175, %dot_general3A_179 {dimension_numbers = #tpu.dot_dimension_numbers<[1], [0], [0], [1], [0, 0, 1, 1], [], []>, transpose_lhs_hint = false} : vector<4096x33xbf16>, vector<33x65xbf16>, vector<4096x65xf32> -> vector<4096x65xf32>
    %dot_general3A_181 = arith.constant dense<0.000000e+00> : vector<4096x65xf32>
    %dot_general3A_182 = tpu.matmul %convert_element_type3A_171, %convert_element_type3A_178, %dot_general3A_181 {dimension_numbers = #tpu.dot_dimension_numbers<[1], [0], [0], [1], [0, 0, 1, 1], [], []>, transpose_lhs_hint = false} : vector<4096x33xbf16>, vector<33x65xbf16>, vector<4096x65xf32> -> vector<4096x65xf32>
    %add3A_183 = arith.addf %dot_general3A_180, %dot_general3A_182 : vector<4096x65xf32>
    %dot_general3A_184 = arith.constant dense<0.000000e+00> : vector<4096x65xf32>
    %dot_general3A_185 = tpu.matmul %convert_element_type3A_174, %convert_element_type3A_175, %dot_general3A_184 {dimension_numbers = #tpu.dot_dimension_numbers<[1], [0], [0], [1], [0, 0, 1, 1], [], []>, transpose_lhs_hint = false} : vector<4096x33xbf16>, vector<33x65xbf16>, vector<4096x65xf32> -> vector<4096x65xf32>
    %add3A_186 = arith.addf %add3A_183, %dot_general3A_185 : vector<4096x65xf32>
    %slice3A_187 = vector.extract_strided_slice %get3A_169 {offsets = [0, 0], sizes = [32, 65], strides = [1, 1]} : vector<65x65xf32> to vector<32x65xf32>
    %convert_element_type3A_188 = arith.truncf %add3A_164 : vector<256x32xf32> to vector<256x32xbf16>
    %convert_element_type3A_189 = arith.extf %convert_element_type3A_188 : vector<256x32xbf16> to vector<256x32xf32>
    %sub3A_190 = arith.subf %add3A_164, %convert_element_type3A_189 : vector<256x32xf32>
    %convert_element_type3A_191 = arith.truncf %sub3A_190 : vector<256x32xf32> to vector<256x32xbf16>
    %convert_element_type3A_192 = arith.truncf %slice3A_187 : vector<32x65xf32> to vector<32x65xbf16>
    %convert_element_type3A_193 = arith.extf %convert_element_type3A_192 : vector<32x65xbf16> to vector<32x65xf32>
    %sub3A_194 = arith.subf %slice3A_187, %convert_element_type3A_193 : vector<32x65xf32>
    %convert_element_type3A_195 = arith.truncf %sub3A_194 : vector<32x65xf32> to vector<32x65xbf16>
    %dot_general3A_196 = arith.constant dense<0.000000e+00> : vector<256x65xf32>
    %dot_general3A_197 = tpu.matmul %convert_element_type3A_188, %convert_element_type3A_192, %dot_general3A_196 {dimension_numbers = #tpu.dot_dimension_numbers<[1], [0], [0], [1], [0, 0, 1, 1], [], []>, transpose_lhs_hint = false} : vector<256x32xbf16>, vector<32x65xbf16>, vector<256x65xf32> -> vector<256x65xf32>
    %dot_general3A_198 = arith.constant dense<0.000000e+00> : vector<256x65xf32>
    %dot_general3A_199 = tpu.matmul %convert_element_type3A_188, %convert_element_type3A_195, %dot_general3A_198 {dimension_numbers = #tpu.dot_dimension_numbers<[1], [0], [0], [1], [0, 0, 1, 1], [], []>, transpose_lhs_hint = false} : vector<256x32xbf16>, vector<32x65xbf16>, vector<256x65xf32> -> vector<256x65xf32>
    %add3A_200 = arith.addf %dot_general3A_197, %dot_general3A_199 : vector<256x65xf32>
    %dot_general3A_201 = arith.constant dense<0.000000e+00> : vector<256x65xf32>
    %dot_general3A_202 = tpu.matmul %convert_element_type3A_191, %convert_element_type3A_192, %dot_general3A_201 {dimension_numbers = #tpu.dot_dimension_numbers<[1], [0], [0], [1], [0, 0, 1, 1], [], []>, transpose_lhs_hint = false} : vector<256x32xbf16>, vector<32x65xbf16>, vector<256x65xf32> -> vector<256x65xf32>
    %add3A_203 = arith.addf %add3A_200, %dot_general3A_202 : vector<256x65xf32>
    %reshape3A_204 = vector.shape_cast %add3A_186 : vector<4096x65xf32> to vector<256x16x65xf32>
    %broadcast_in_dim3A_205 = vector.shape_cast %add3A_203 : vector<256x65xf32> to vector<256x1x65xf32>
    %add3A_206 = vector.broadcast %broadcast_in_dim3A_205 : vector<256x1x65xf32> to vector<256x16x65xf32>
    %add3A_207 = arith.addf %reshape3A_204, %add3A_206 : vector<256x16x65xf32>
    %get3A_208 = arith.constant 1 : index
    %get3A_209 = arith.constant 0 : index
    %get3A_210 = vector.load %arg5[%get3A_208, %get3A_209] : memref<3x65xf32, #tpu.memory_space<vmem>>, vector<1x65xf32>
    %get3A_211 = vector.shape_cast %get3A_210 : vector<1x65xf32> to vector<65xf32>
    %broadcast_in_dim3A_212 = vector.shape_cast %get3A_211 : vector<65xf32> to vector<1x1x65xf32>
    %add3A_213 = vector.broadcast %broadcast_in_dim3A_212 : vector<1x1x65xf32> to vector<256x16x65xf32>
    %add3A_214 = arith.addf %add3A_207, %add3A_213 : vector<256x16x65xf32>
    %ge3A_215 = arith.constant 0.000000e+00 : f32
    %ge3A_216 = vector.broadcast %ge3A_215 : f32 to vector<256x16x65xf32>
    %ge3A_217 = arith.cmpf oge, %add3A_214, %ge3A_216 : vector<256x16x65xf32>
    %mul3A_218 = arith.constant 2.000000e-01 : f32
    %mul3A_219 = vector.broadcast %mul3A_218 : f32 to vector<256x16x65xf32>
    %mul3A_220 = arith.mulf %mul3A_219, %add3A_214 : vector<256x16x65xf32>
    %select_n3A_221 = arith.select %ge3A_217, %add3A_214, %mul3A_220 : vector<256x16x65xi1>, vector<256x16x65xf32>
    %reshape3A_222 = vector.shape_cast %select_n3A_221 : vector<256x16x65xf32> to vector<4096x65xf32>
    %get3A_223 = arith.constant 1 : index
    %get3A_224 = arith.constant 0 : index
    %get3A_225 = arith.constant 0 : index
    %get3A_226 = vector.load %arg6[%get3A_223, %get3A_224, %get3A_225] : memref<3x65x32xf32, #tpu.memory_space<vmem>>, vector<1x65x32xf32>
    %get3A_227 = vector.shape_cast %get3A_226 : vector<1x65x32xf32> to vector<65x32xf32>
    %convert_element_type3A_228 = arith.truncf %reshape3A_222 : vector<4096x65xf32> to vector<4096x65xbf16>
    %convert_element_type3A_229 = arith.extf %convert_element_type3A_228 : vector<4096x65xbf16> to vector<4096x65xf32>
    %sub3A_230 = arith.subf %reshape3A_222, %convert_element_type3A_229 : vector<4096x65xf32>
    %convert_element_type3A_231 = arith.truncf %sub3A_230 : vector<4096x65xf32> to vector<4096x65xbf16>
    %convert_element_type3A_232 = arith.truncf %get3A_227 : vector<65x32xf32> to vector<65x32xbf16>
    %convert_element_type3A_233 = arith.extf %convert_element_type3A_232 : vector<65x32xbf16> to vector<65x32xf32>
    %sub3A_234 = arith.subf %get3A_227, %convert_element_type3A_233 : vector<65x32xf32>
    %convert_element_type3A_235 = arith.truncf %sub3A_234 : vector<65x32xf32> to vector<65x32xbf16>
    %dot_general3A_236 = arith.constant dense<0.000000e+00> : vector<4096x32xf32>
    %dot_general3A_237 = tpu.matmul %convert_element_type3A_228, %convert_element_type3A_232, %dot_general3A_236 {dimension_numbers = #tpu.dot_dimension_numbers<[1], [0], [0], [1], [0, 0, 1, 1], [], []>, transpose_lhs_hint = false} : vector<4096x65xbf16>, vector<65x32xbf16>, vector<4096x32xf32> -> vector<4096x32xf32>
    %dot_general3A_238 = arith.constant dense<0.000000e+00> : vector<4096x32xf32>
    %dot_general3A_239 = tpu.matmul %convert_element_type3A_228, %convert_element_type3A_235, %dot_general3A_238 {dimension_numbers = #tpu.dot_dimension_numbers<[1], [0], [0], [1], [0, 0, 1, 1], [], []>, transpose_lhs_hint = false} : vector<4096x65xbf16>, vector<65x32xbf16>, vector<4096x32xf32> -> vector<4096x32xf32>
    %add3A_240 = arith.addf %dot_general3A_237, %dot_general3A_239 : vector<4096x32xf32>
    %dot_general3A_241 = arith.constant dense<0.000000e+00> : vector<4096x32xf32>
    %dot_general3A_242 = tpu.matmul %convert_element_type3A_231, %convert_element_type3A_232, %dot_general3A_241 {dimension_numbers = #tpu.dot_dimension_numbers<[1], [0], [0], [1], [0, 0, 1, 1], [], []>, transpose_lhs_hint = false} : vector<4096x65xbf16>, vector<65x32xbf16>, vector<4096x32xf32> -> vector<4096x32xf32>
    %add3A_243 = arith.addf %add3A_240, %dot_general3A_242 : vector<4096x32xf32>
    %reshape3A_244 = vector.shape_cast %add3A_243 : vector<4096x32xf32> to vector<256x16x32xf32>
    %reduce_sum3A_245 = arith.constant dense<0.000000e+00> : vector<256x32xf32>
    %reduce_sum3A_246 = vector.multi_reduction <add>, %reshape3A_244, %reduce_sum3A_245 [1] : vector<256x16x32xf32> to vector<256x32xf32>
    %get3A_247 = arith.constant 1 : index
    %get3A_248 = arith.constant 0 : index
    %get3A_249 = vector.load %arg7[%get3A_247, %get3A_248] : memref<3x32xf32, #tpu.memory_space<vmem>>, vector<1x32xf32>
    %get3A_250 = vector.shape_cast %get3A_249 : vector<1x32xf32> to vector<32xf32>
    %broadcast_in_dim3A_251 = vector.shape_cast %get3A_250 : vector<32xf32> to vector<1x32xf32>
    %mul3A_252 = arith.constant 1.600000e+01 : f32
    %mul3A_253 = vector.broadcast %mul3A_252 : f32 to vector<1x32xf32>
    %mul3A_254 = arith.mulf %mul3A_253, %broadcast_in_dim3A_251 : vector<1x32xf32>
    %add3A_255 = vector.broadcast %mul3A_254 : vector<1x32xf32> to vector<256x32xf32>
    %add3A_256 = arith.addf %reduce_sum3A_246, %add3A_255 : vector<256x32xf32>
    %slice3A_257 = vector.extract_strided_slice %add3A_256 {offsets = [0, 0], sizes = [256, 16], strides = [1, 1]} : vector<256x32xf32> to vector<256x16xf32>
    %reduce_sum3A_258 = arith.constant dense<0.000000e+00> : vector<256xf32>
    %reduce_sum3A_259 = vector.multi_reduction <add>, %slice3A_257, %reduce_sum3A_258 [1] : vector<256x16xf32> to vector<256xf32>
    %broadcast_in_dim3A_260 = vector.shape_cast %reduce_sum3A_259 : vector<256xf32> to vector<256x1xf32>
    %div3A_261 = arith.constant 1.600000e+01 : f32
    %div3A_262 = vector.broadcast %div3A_261 : f32 to vector<256x1xf32>
    %div3A_263 = arith.divf %broadcast_in_dim3A_260, %div3A_262 : vector<256x1xf32>
    %sub3A_264 = vector.broadcast %div3A_263 : vector<256x1xf32> to vector<256x16xf32>
    %sub3A_265 = arith.subf %slice3A_257, %sub3A_264 : vector<256x16xf32>
    %mul3A_266 = arith.mulf %sub3A_265, %sub3A_265 : vector<256x16xf32>
    %reduce_sum3A_267 = arith.constant dense<0.000000e+00> : vector<256xf32>
    %reduce_sum3A_268 = vector.multi_reduction <add>, %mul3A_266, %reduce_sum3A_267 [1] : vector<256x16xf32> to vector<256xf32>
    %broadcast_in_dim3A_269 = vector.shape_cast %reduce_sum3A_268 : vector<256xf32> to vector<256x1xf32>
    %div3A_270 = arith.constant 1.600000e+01 : f32
    %div3A_271 = vector.broadcast %div3A_270 : f32 to vector<256x1xf32>
    %div3A_272 = arith.divf %broadcast_in_dim3A_269, %div3A_271 : vector<256x1xf32>
    %add3A_273 = arith.constant 9.99999974E-6 : f32
    %add3A_274 = vector.broadcast %add3A_273 : f32 to vector<256x1xf32>
    %add3A_275 = arith.addf %div3A_272, %add3A_274 : vector<256x1xf32>
    %rsqrt3A_276 = math.rsqrt %add3A_275 : vector<256x1xf32>
    %mul3A_277 = vector.broadcast %rsqrt3A_276 : vector<256x1xf32> to vector<256x16xf32>
    %mul3A_278 = arith.mulf %sub3A_265, %mul3A_277 : vector<256x16xf32>
    %slice3A_279 = vector.extract_strided_slice %add3A_256 {offsets = [0, 16], sizes = [256, 16], strides = [1, 1]} : vector<256x32xf32> to vector<256x16xf32>
    %reduce_sum3A_280 = arith.constant dense<0.000000e+00> : vector<256xf32>
    %reduce_sum3A_281 = vector.multi_reduction <add>, %slice3A_279, %reduce_sum3A_280 [1] : vector<256x16xf32> to vector<256xf32>
    %broadcast_in_dim3A_282 = vector.shape_cast %reduce_sum3A_281 : vector<256xf32> to vector<256x1xf32>
    %div3A_283 = arith.constant 1.600000e+01 : f32
    %div3A_284 = vector.broadcast %div3A_283 : f32 to vector<256x1xf32>
    %div3A_285 = arith.divf %broadcast_in_dim3A_282, %div3A_284 : vector<256x1xf32>
    %sub3A_286 = vector.broadcast %div3A_285 : vector<256x1xf32> to vector<256x16xf32>
    %sub3A_287 = arith.subf %slice3A_279, %sub3A_286 : vector<256x16xf32>
    %mul3A_288 = arith.mulf %sub3A_287, %sub3A_287 : vector<256x16xf32>
    %reduce_sum3A_289 = arith.constant dense<0.000000e+00> : vector<256xf32>
    %reduce_sum3A_290 = vector.multi_reduction <add>, %mul3A_288, %reduce_sum3A_289 [1] : vector<256x16xf32> to vector<256xf32>
    %broadcast_in_dim3A_291 = vector.shape_cast %reduce_sum3A_290 : vector<256xf32> to vector<256x1xf32>
    %div3A_292 = arith.constant 1.600000e+01 : f32
    %div3A_293 = vector.broadcast %div3A_292 : f32 to vector<256x1xf32>
    %div3A_294 = arith.divf %broadcast_in_dim3A_291, %div3A_293 : vector<256x1xf32>
    %add3A_295 = arith.constant 9.99999974E-6 : f32
    %add3A_296 = vector.broadcast %add3A_295 : f32 to vector<256x1xf32>
    %add3A_297 = arith.addf %div3A_294, %add3A_296 : vector<256x1xf32>
    %rsqrt3A_298 = math.rsqrt %add3A_297 : vector<256x1xf32>
    %mul3A_299 = vector.broadcast %rsqrt3A_298 : vector<256x1xf32> to vector<256x16xf32>
    %mul3A_300 = arith.mulf %sub3A_287, %mul3A_299 : vector<256x16xf32>
    %concatenate3A_301 = tpu.concatenate %mul3A_278, %mul3A_300 in 1 : vector<256x16xf32>, vector<256x16xf32> -> vector<256x32xf32>
    %get3A_302 = arith.constant 1 : index
    %get3A_303 = arith.constant 0 : index
    %get3A_304 = vector.load %arg8[%get3A_302, %get3A_303] : memref<3x32xf32, #tpu.memory_space<vmem>>, vector<1x32xf32>
    %get3A_305 = vector.shape_cast %get3A_304 : vector<1x32xf32> to vector<32xf32>
    %broadcast_in_dim3A_306 = vector.shape_cast %get3A_305 : vector<32xf32> to vector<1x32xf32>
    %mul3A_307 = vector.broadcast %broadcast_in_dim3A_306 : vector<1x32xf32> to vector<256x32xf32>
    %mul3A_308 = arith.mulf %concatenate3A_301, %mul3A_307 : vector<256x32xf32>
    %get3A_309 = arith.constant 1 : index
    %get3A_310 = arith.constant 0 : index
    %get3A_311 = vector.load %arg9[%get3A_309, %get3A_310] : memref<3x32xf32, #tpu.memory_space<vmem>>, vector<1x32xf32>
    %get3A_312 = vector.shape_cast %get3A_311 : vector<1x32xf32> to vector<32xf32>
    %broadcast_in_dim3A_313 = vector.shape_cast %get3A_312 : vector<32xf32> to vector<1x32xf32>
    %add3A_314 = vector.broadcast %broadcast_in_dim3A_313 : vector<1x32xf32> to vector<256x32xf32>
    %add3A_315 = arith.addf %mul3A_308, %add3A_314 : vector<256x32xf32>
    %ge3A_316 = arith.constant 0.000000e+00 : f32
    %ge3A_317 = vector.broadcast %ge3A_316 : f32 to vector<256x32xf32>
    %ge3A_318 = arith.cmpf oge, %add3A_315, %ge3A_317 : vector<256x32xf32>
    %mul3A_319 = arith.constant 2.000000e-01 : f32
    %mul3A_320 = vector.broadcast %mul3A_319 : f32 to vector<256x32xf32>
    %mul3A_321 = arith.mulf %mul3A_320, %add3A_315 : vector<256x32xf32>
    %select_n3A_322 = arith.select %ge3A_318, %add3A_315, %mul3A_321 : vector<256x32xi1>, vector<256x32xf32>
    %add3A_323 = arith.addf %add3A_164, %select_n3A_322 : vector<256x32xf32>
    %get3A_324 = arith.constant 2 : index
    %get3A_325 = arith.constant 0 : index
    %get3A_326 = arith.constant 0 : index
    %get3A_327 = vector.load %arg4[%get3A_324, %get3A_325, %get3A_326] : memref<3x65x65xf32, #tpu.memory_space<vmem>>, vector<1x65x65xf32>
    %get3A_328 = vector.shape_cast %get3A_327 : vector<1x65x65xf32> to vector<65x65xf32>
    %slice3A_329 = vector.extract_strided_slice %get3A_328 {offsets = [32, 0], sizes = [33, 65], strides = [1, 1]} : vector<65x65xf32> to vector<33x65xf32>
    %convert_element_type3A_330 = arith.truncf %concatenate3A : vector<4096x33xf32> to vector<4096x33xbf16>
    %convert_element_type3A_331 = arith.extf %convert_element_type3A_330 : vector<4096x33xbf16> to vector<4096x33xf32>
    %sub3A_332 = arith.subf %concatenate3A, %convert_element_type3A_331 : vector<4096x33xf32>
    %convert_element_type3A_333 = arith.truncf %sub3A_332 : vector<4096x33xf32> to vector<4096x33xbf16>
    %convert_element_type3A_334 = arith.truncf %slice3A_329 : vector<33x65xf32> to vector<33x65xbf16>
    %convert_element_type3A_335 = arith.extf %convert_element_type3A_334 : vector<33x65xbf16> to vector<33x65xf32>
    %sub3A_336 = arith.subf %slice3A_329, %convert_element_type3A_335 : vector<33x65xf32>
    %convert_element_type3A_337 = arith.truncf %sub3A_336 : vector<33x65xf32> to vector<33x65xbf16>
    %dot_general3A_338 = arith.constant dense<0.000000e+00> : vector<4096x65xf32>
    %dot_general3A_339 = tpu.matmul %convert_element_type3A_330, %convert_element_type3A_334, %dot_general3A_338 {dimension_numbers = #tpu.dot_dimension_numbers<[1], [0], [0], [1], [0, 0, 1, 1], [], []>, transpose_lhs_hint = false} : vector<4096x33xbf16>, vector<33x65xbf16>, vector<4096x65xf32> -> vector<4096x65xf32>
    %dot_general3A_340 = arith.constant dense<0.000000e+00> : vector<4096x65xf32>
    %dot_general3A_341 = tpu.matmul %convert_element_type3A_330, %convert_element_type3A_337, %dot_general3A_340 {dimension_numbers = #tpu.dot_dimension_numbers<[1], [0], [0], [1], [0, 0, 1, 1], [], []>, transpose_lhs_hint = false} : vector<4096x33xbf16>, vector<33x65xbf16>, vector<4096x65xf32> -> vector<4096x65xf32>
    %add3A_342 = arith.addf %dot_general3A_339, %dot_general3A_341 : vector<4096x65xf32>
    %dot_general3A_343 = arith.constant dense<0.000000e+00> : vector<4096x65xf32>
    %dot_general3A_344 = tpu.matmul %convert_element_type3A_333, %convert_element_type3A_334, %dot_general3A_343 {dimension_numbers = #tpu.dot_dimension_numbers<[1], [0], [0], [1], [0, 0, 1, 1], [], []>, transpose_lhs_hint = false} : vector<4096x33xbf16>, vector<33x65xbf16>, vector<4096x65xf32> -> vector<4096x65xf32>
    %add3A_345 = arith.addf %add3A_342, %dot_general3A_344 : vector<4096x65xf32>
    %slice3A_346 = vector.extract_strided_slice %get3A_328 {offsets = [0, 0], sizes = [32, 65], strides = [1, 1]} : vector<65x65xf32> to vector<32x65xf32>
    %convert_element_type3A_347 = arith.truncf %add3A_323 : vector<256x32xf32> to vector<256x32xbf16>
    %convert_element_type3A_348 = arith.extf %convert_element_type3A_347 : vector<256x32xbf16> to vector<256x32xf32>
    %sub3A_349 = arith.subf %add3A_323, %convert_element_type3A_348 : vector<256x32xf32>
    %convert_element_type3A_350 = arith.truncf %sub3A_349 : vector<256x32xf32> to vector<256x32xbf16>
    %convert_element_type3A_351 = arith.truncf %slice3A_346 : vector<32x65xf32> to vector<32x65xbf16>
    %convert_element_type3A_352 = arith.extf %convert_element_type3A_351 : vector<32x65xbf16> to vector<32x65xf32>
    %sub3A_353 = arith.subf %slice3A_346, %convert_element_type3A_352 : vector<32x65xf32>
    %convert_element_type3A_354 = arith.truncf %sub3A_353 : vector<32x65xf32> to vector<32x65xbf16>
    %dot_general3A_355 = arith.constant dense<0.000000e+00> : vector<256x65xf32>
    %dot_general3A_356 = tpu.matmul %convert_element_type3A_347, %convert_element_type3A_351, %dot_general3A_355 {dimension_numbers = #tpu.dot_dimension_numbers<[1], [0], [0], [1], [0, 0, 1, 1], [], []>, transpose_lhs_hint = false} : vector<256x32xbf16>, vector<32x65xbf16>, vector<256x65xf32> -> vector<256x65xf32>
    %dot_general3A_357 = arith.constant dense<0.000000e+00> : vector<256x65xf32>
    %dot_general3A_358 = tpu.matmul %convert_element_type3A_347, %convert_element_type3A_354, %dot_general3A_357 {dimension_numbers = #tpu.dot_dimension_numbers<[1], [0], [0], [1], [0, 0, 1, 1], [], []>, transpose_lhs_hint = false} : vector<256x32xbf16>, vector<32x65xbf16>, vector<256x65xf32> -> vector<256x65xf32>
    %add3A_359 = arith.addf %dot_general3A_356, %dot_general3A_358 : vector<256x65xf32>
    %dot_general3A_360 = arith.constant dense<0.000000e+00> : vector<256x65xf32>
    %dot_general3A_361 = tpu.matmul %convert_element_type3A_350, %convert_element_type3A_351, %dot_general3A_360 {dimension_numbers = #tpu.dot_dimension_numbers<[1], [0], [0], [1], [0, 0, 1, 1], [], []>, transpose_lhs_hint = false} : vector<256x32xbf16>, vector<32x65xbf16>, vector<256x65xf32> -> vector<256x65xf32>
    %add3A_362 = arith.addf %add3A_359, %dot_general3A_361 : vector<256x65xf32>
    %reshape3A_363 = vector.shape_cast %add3A_345 : vector<4096x65xf32> to vector<256x16x65xf32>
    %broadcast_in_dim3A_364 = vector.shape_cast %add3A_362 : vector<256x65xf32> to vector<256x1x65xf32>
    %add3A_365 = vector.broadcast %broadcast_in_dim3A_364 : vector<256x1x65xf32> to vector<256x16x65xf32>
    %add3A_366 = arith.addf %reshape3A_363, %add3A_365 : vector<256x16x65xf32>
    %get3A_367 = arith.constant 2 : index
    %get3A_368 = arith.constant 0 : index
    %get3A_369 = vector.load %arg5[%get3A_367, %get3A_368] : memref<3x65xf32, #tpu.memory_space<vmem>>, vector<1x65xf32>
    %get3A_370 = vector.shape_cast %get3A_369 : vector<1x65xf32> to vector<65xf32>
    %broadcast_in_dim3A_371 = vector.shape_cast %get3A_370 : vector<65xf32> to vector<1x1x65xf32>
    %add3A_372 = vector.broadcast %broadcast_in_dim3A_371 : vector<1x1x65xf32> to vector<256x16x65xf32>
    %add3A_373 = arith.addf %add3A_366, %add3A_372 : vector<256x16x65xf32>
    %ge3A_374 = arith.constant 0.000000e+00 : f32
    %ge3A_375 = vector.broadcast %ge3A_374 : f32 to vector<256x16x65xf32>
    %ge3A_376 = arith.cmpf oge, %add3A_373, %ge3A_375 : vector<256x16x65xf32>
    %mul3A_377 = arith.constant 2.000000e-01 : f32
    %mul3A_378 = vector.broadcast %mul3A_377 : f32 to vector<256x16x65xf32>
    %mul3A_379 = arith.mulf %mul3A_378, %add3A_373 : vector<256x16x65xf32>
    %select_n3A_380 = arith.select %ge3A_376, %add3A_373, %mul3A_379 : vector<256x16x65xi1>, vector<256x16x65xf32>
    %reshape3A_381 = vector.shape_cast %select_n3A_380 : vector<256x16x65xf32> to vector<4096x65xf32>
    %get3A_382 = arith.constant 2 : index
    %get3A_383 = arith.constant 0 : index
    %get3A_384 = arith.constant 0 : index
    %get3A_385 = vector.load %arg6[%get3A_382, %get3A_383, %get3A_384] : memref<3x65x32xf32, #tpu.memory_space<vmem>>, vector<1x65x32xf32>
    %get3A_386 = vector.shape_cast %get3A_385 : vector<1x65x32xf32> to vector<65x32xf32>
    %convert_element_type3A_387 = arith.truncf %reshape3A_381 : vector<4096x65xf32> to vector<4096x65xbf16>
    %convert_element_type3A_388 = arith.extf %convert_element_type3A_387 : vector<4096x65xbf16> to vector<4096x65xf32>
    %sub3A_389 = arith.subf %reshape3A_381, %convert_element_type3A_388 : vector<4096x65xf32>
    %convert_element_type3A_390 = arith.truncf %sub3A_389 : vector<4096x65xf32> to vector<4096x65xbf16>
    %convert_element_type3A_391 = arith.truncf %get3A_386 : vector<65x32xf32> to vector<65x32xbf16>
    %convert_element_type3A_392 = arith.extf %convert_element_type3A_391 : vector<65x32xbf16> to vector<65x32xf32>
    %sub3A_393 = arith.subf %get3A_386, %convert_element_type3A_392 : vector<65x32xf32>
    %convert_element_type3A_394 = arith.truncf %sub3A_393 : vector<65x32xf32> to vector<65x32xbf16>
    %dot_general3A_395 = arith.constant dense<0.000000e+00> : vector<4096x32xf32>
    %dot_general3A_396 = tpu.matmul %convert_element_type3A_387, %convert_element_type3A_391, %dot_general3A_395 {dimension_numbers = #tpu.dot_dimension_numbers<[1], [0], [0], [1], [0, 0, 1, 1], [], []>, transpose_lhs_hint = false} : vector<4096x65xbf16>, vector<65x32xbf16>, vector<4096x32xf32> -> vector<4096x32xf32>
    %dot_general3A_397 = arith.constant dense<0.000000e+00> : vector<4096x32xf32>
    %dot_general3A_398 = tpu.matmul %convert_element_type3A_387, %convert_element_type3A_394, %dot_general3A_397 {dimension_numbers = #tpu.dot_dimension_numbers<[1], [0], [0], [1], [0, 0, 1, 1], [], []>, transpose_lhs_hint = false} : vector<4096x65xbf16>, vector<65x32xbf16>, vector<4096x32xf32> -> vector<4096x32xf32>
    %add3A_399 = arith.addf %dot_general3A_396, %dot_general3A_398 : vector<4096x32xf32>
    %dot_general3A_400 = arith.constant dense<0.000000e+00> : vector<4096x32xf32>
    %dot_general3A_401 = tpu.matmul %convert_element_type3A_390, %convert_element_type3A_391, %dot_general3A_400 {dimension_numbers = #tpu.dot_dimension_numbers<[1], [0], [0], [1], [0, 0, 1, 1], [], []>, transpose_lhs_hint = false} : vector<4096x65xbf16>, vector<65x32xbf16>, vector<4096x32xf32> -> vector<4096x32xf32>
    %add3A_402 = arith.addf %add3A_399, %dot_general3A_401 : vector<4096x32xf32>
    %reshape3A_403 = vector.shape_cast %add3A_402 : vector<4096x32xf32> to vector<256x16x32xf32>
    %reduce_sum3A_404 = arith.constant dense<0.000000e+00> : vector<256x32xf32>
    %reduce_sum3A_405 = vector.multi_reduction <add>, %reshape3A_403, %reduce_sum3A_404 [1] : vector<256x16x32xf32> to vector<256x32xf32>
    %get3A_406 = arith.constant 2 : index
    %get3A_407 = arith.constant 0 : index
    %get3A_408 = vector.load %arg7[%get3A_406, %get3A_407] : memref<3x32xf32, #tpu.memory_space<vmem>>, vector<1x32xf32>
    %get3A_409 = vector.shape_cast %get3A_408 : vector<1x32xf32> to vector<32xf32>
    %broadcast_in_dim3A_410 = vector.shape_cast %get3A_409 : vector<32xf32> to vector<1x32xf32>
    %mul3A_411 = arith.constant 1.600000e+01 : f32
    %mul3A_412 = vector.broadcast %mul3A_411 : f32 to vector<1x32xf32>
    %mul3A_413 = arith.mulf %mul3A_412, %broadcast_in_dim3A_410 : vector<1x32xf32>
    %add3A_414 = vector.broadcast %mul3A_413 : vector<1x32xf32> to vector<256x32xf32>
    %add3A_415 = arith.addf %reduce_sum3A_405, %add3A_414 : vector<256x32xf32>
    %slice3A_416 = vector.extract_strided_slice %add3A_415 {offsets = [0, 0], sizes = [256, 16], strides = [1, 1]} : vector<256x32xf32> to vector<256x16xf32>
    %reduce_sum3A_417 = arith.constant dense<0.000000e+00> : vector<256xf32>
    %reduce_sum3A_418 = vector.multi_reduction <add>, %slice3A_416, %reduce_sum3A_417 [1] : vector<256x16xf32> to vector<256xf32>
    %broadcast_in_dim3A_419 = vector.shape_cast %reduce_sum3A_418 : vector<256xf32> to vector<256x1xf32>
    %div3A_420 = arith.constant 1.600000e+01 : f32
    %div3A_421 = vector.broadcast %div3A_420 : f32 to vector<256x1xf32>
    %div3A_422 = arith.divf %broadcast_in_dim3A_419, %div3A_421 : vector<256x1xf32>
    %sub3A_423 = vector.broadcast %div3A_422 : vector<256x1xf32> to vector<256x16xf32>
    %sub3A_424 = arith.subf %slice3A_416, %sub3A_423 : vector<256x16xf32>
    %mul3A_425 = arith.mulf %sub3A_424, %sub3A_424 : vector<256x16xf32>
    %reduce_sum3A_426 = arith.constant dense<0.000000e+00> : vector<256xf32>
    %reduce_sum3A_427 = vector.multi_reduction <add>, %mul3A_425, %reduce_sum3A_426 [1] : vector<256x16xf32> to vector<256xf32>
    %broadcast_in_dim3A_428 = vector.shape_cast %reduce_sum3A_427 : vector<256xf32> to vector<256x1xf32>
    %div3A_429 = arith.constant 1.600000e+01 : f32
    %div3A_430 = vector.broadcast %div3A_429 : f32 to vector<256x1xf32>
    %div3A_431 = arith.divf %broadcast_in_dim3A_428, %div3A_430 : vector<256x1xf32>
    %add3A_432 = arith.constant 9.99999974E-6 : f32
    %add3A_433 = vector.broadcast %add3A_432 : f32 to vector<256x1xf32>
    %add3A_434 = arith.addf %div3A_431, %add3A_433 : vector<256x1xf32>
    %rsqrt3A_435 = math.rsqrt %add3A_434 : vector<256x1xf32>
    %mul3A_436 = vector.broadcast %rsqrt3A_435 : vector<256x1xf32> to vector<256x16xf32>
    %mul3A_437 = arith.mulf %sub3A_424, %mul3A_436 : vector<256x16xf32>
    %slice3A_438 = vector.extract_strided_slice %add3A_415 {offsets = [0, 16], sizes = [256, 16], strides = [1, 1]} : vector<256x32xf32> to vector<256x16xf32>
    %reduce_sum3A_439 = arith.constant dense<0.000000e+00> : vector<256xf32>
    %reduce_sum3A_440 = vector.multi_reduction <add>, %slice3A_438, %reduce_sum3A_439 [1] : vector<256x16xf32> to vector<256xf32>
    %broadcast_in_dim3A_441 = vector.shape_cast %reduce_sum3A_440 : vector<256xf32> to vector<256x1xf32>
    %div3A_442 = arith.constant 1.600000e+01 : f32
    %div3A_443 = vector.broadcast %div3A_442 : f32 to vector<256x1xf32>
    %div3A_444 = arith.divf %broadcast_in_dim3A_441, %div3A_443 : vector<256x1xf32>
    %sub3A_445 = vector.broadcast %div3A_444 : vector<256x1xf32> to vector<256x16xf32>
    %sub3A_446 = arith.subf %slice3A_438, %sub3A_445 : vector<256x16xf32>
    %mul3A_447 = arith.mulf %sub3A_446, %sub3A_446 : vector<256x16xf32>
    %reduce_sum3A_448 = arith.constant dense<0.000000e+00> : vector<256xf32>
    %reduce_sum3A_449 = vector.multi_reduction <add>, %mul3A_447, %reduce_sum3A_448 [1] : vector<256x16xf32> to vector<256xf32>
    %broadcast_in_dim3A_450 = vector.shape_cast %reduce_sum3A_449 : vector<256xf32> to vector<256x1xf32>
    %div3A_451 = arith.constant 1.600000e+01 : f32
    %div3A_452 = vector.broadcast %div3A_451 : f32 to vector<256x1xf32>
    %div3A_453 = arith.divf %broadcast_in_dim3A_450, %div3A_452 : vector<256x1xf32>
    %add3A_454 = arith.constant 9.99999974E-6 : f32
    %add3A_455 = vector.broadcast %add3A_454 : f32 to vector<256x1xf32>
    %add3A_456 = arith.addf %div3A_453, %add3A_455 : vector<256x1xf32>
    %rsqrt3A_457 = math.rsqrt %add3A_456 : vector<256x1xf32>
    %mul3A_458 = vector.broadcast %rsqrt3A_457 : vector<256x1xf32> to vector<256x16xf32>
    %mul3A_459 = arith.mulf %sub3A_446, %mul3A_458 : vector<256x16xf32>
    %concatenate3A_460 = tpu.concatenate %mul3A_437, %mul3A_459 in 1 : vector<256x16xf32>, vector<256x16xf32> -> vector<256x32xf32>
    %get3A_461 = arith.constant 2 : index
    %get3A_462 = arith.constant 0 : index
    %get3A_463 = vector.load %arg8[%get3A_461, %get3A_462] : memref<3x32xf32, #tpu.memory_space<vmem>>, vector<1x32xf32>
    %get3A_464 = vector.shape_cast %get3A_463 : vector<1x32xf32> to vector<32xf32>
    %broadcast_in_dim3A_465 = vector.shape_cast %get3A_464 : vector<32xf32> to vector<1x32xf32>
    %mul3A_466 = vector.broadcast %broadcast_in_dim3A_465 : vector<1x32xf32> to vector<256x32xf32>
    %mul3A_467 = arith.mulf %concatenate3A_460, %mul3A_466 : vector<256x32xf32>
    %get3A_468 = arith.constant 2 : index
    %get3A_469 = arith.constant 0 : index
    %get3A_470 = vector.load %arg9[%get3A_468, %get3A_469] : memref<3x32xf32, #tpu.memory_space<vmem>>, vector<1x32xf32>
    %get3A_471 = vector.shape_cast %get3A_470 : vector<1x32xf32> to vector<32xf32>
    %broadcast_in_dim3A_472 = vector.shape_cast %get3A_471 : vector<32xf32> to vector<1x32xf32>
    %add3A_473 = vector.broadcast %broadcast_in_dim3A_472 : vector<1x32xf32> to vector<256x32xf32>
    %add3A_474 = arith.addf %mul3A_467, %add3A_473 : vector<256x32xf32>
    %ge3A_475 = arith.constant 0.000000e+00 : f32
    %ge3A_476 = vector.broadcast %ge3A_475 : f32 to vector<256x32xf32>
    %ge3A_477 = arith.cmpf oge, %add3A_474, %ge3A_476 : vector<256x32xf32>
    %mul3A_478 = arith.constant 2.000000e-01 : f32
    %mul3A_479 = vector.broadcast %mul3A_478 : f32 to vector<256x32xf32>
    %mul3A_480 = arith.mulf %mul3A_479, %add3A_474 : vector<256x32xf32>
    %select_n3A_481 = arith.select %ge3A_477, %add3A_474, %mul3A_480 : vector<256x32xi1>, vector<256x32xf32>
    %add3A_482 = arith.addf %add3A_323, %select_n3A_481 : vector<256x32xf32>
    %swap3A = arith.constant 0 : index
    %swap3A_483 = arith.constant 0 : index
    %swap3A_484 = vector.load %arg10[%swap3A, %swap3A_483] : memref<256x32xf32, #tpu.memory_space<vmem>>, vector<256x32xf32>
    tpu.vector_store %arg10[%swap3A, %swap3A_483], %add3A_482 {strides = array<i32>} : memref<256x32xf32, #tpu.memory_space<vmem>>, vector<256x32xf32>,
    return
  }
  func.func @transform_0(%arg0: i32) -> (i32, i32) {
    %c0_i32 = arith.constant 0 : i32
    %c0_i32_0 = arith.constant 0 : i32
    return %arg0, %c0_i32 : i32, i32
  }
  func.func @transform_1(%arg0: i32) -> (i32, i32) {
    %c0_i32 = arith.constant 0 : i32
    %c0_i32_0 = arith.constant 0 : i32
    return %arg0, %c0_i32 : i32, i32
  }
  func.func @transform_2(%arg0: i32) -> (i32, i32) {
    %c0_i32 = arith.constant 0 : i32
    %c0_i32_0 = arith.constant 0 : i32
    return %arg0, %c0_i32 : i32, i32
  }
  func.func @transform_3(%arg0: i32) -> (i32, i32, i32) {
    %c0_i32 = arith.constant 0 : i32
    %c0_i32_0 = arith.constant 0 : i32
    %c0_i32_1 = arith.constant 0 : i32
    %c0_i32_2 = arith.constant 0 : i32
    return %c0_i32, %c0_i32_0, %c0_i32_1 : i32, i32, i32
  }
  func.func @transform_4(%arg0: i32) -> (i32, i32) {
    %c0_i32 = arith.constant 0 : i32
    %c0_i32_0 = arith.constant 0 : i32
    %c0_i32_1 = arith.constant 0 : i32
    return %c0_i32, %c0_i32_0 : i32, i32
  }
  func.func @transform_5(%arg0: i32) -> (i32, i32, i32) {
    %c0_i32 = arith.constant 0 : i32
    %c0_i32_0 = arith.constant 0 : i32
    %c0_i32_1 = arith.constant 0 : i32
    %c0_i32_2 = arith.constant 0 : i32
    return %c0_i32, %c0_i32_0, %c0_i32_1 : i32, i32, i32
  }
  func.func @transform_6(%arg0: i32) -> (i32, i32) {
    %c0_i32 = arith.constant 0 : i32
    %c0_i32_0 = arith.constant 0 : i32
    %c0_i32_1 = arith.constant 0 : i32
    return %c0_i32, %c0_i32_0 : i32, i32
  }
  func.func @transform_7(%arg0: i32) -> (i32, i32) {
    %c0_i32 = arith.constant 0 : i32
    %c0_i32_0 = arith.constant 0 : i32
    %c0_i32_1 = arith.constant 0 : i32
    return %c0_i32, %c0_i32_0 : i32, i32
  }
  func.func @transform_8(%arg0: i32) -> (i32, i32) {
    %c0_i32 = arith.constant 0 : i32
    %c0_i32_0 = arith.constant 0 : i32
    %c0_i32_1 = arith.constant 0 : i32
    return %c0_i32, %c0_i32_0 : i32, i32
  }
  func.func @transform_9(%arg0: i32) -> (i32, i32) {
    %c0_i32 = arith.constant 0 : i32
    %c0_i32_0 = arith.constant 0 : i32
    return %arg0, %c0_i32 : i32, i32
  }
}

</mosaic_0001>

<sc_bundles>
// kernel: kernel.5.cloned.1.call-start
scs
__scs_entry_jumppad:
0x0: {  	(pc) =	sbr.rel $0x88, $3  }
0x1: {  	(tag) =	ssettag $0x0;
	lr =	simm.s32 $0x1  }
0x2: {  	[smem:$0x3F98] =	sst lr;
	_ =	strace $0xD0000000  }
0x3: {  	_ = 	snop  }
0x4: {  	_ = 	snop  }
0x5: {  	_ = 	snop  }
0x6: {  	_ = 	snop  }
0x7: {  	_ = 	snop  }
__scs_overlays_trampoline_lowered:
0x8: {  	[smem:$0x3FA7] =	sst s0  }
0x9: {  	[smem:$0x3FA8] =	sst s1  }
0xa: {  	[smem:$0x3FA9] =	sst s2  }
0xb: {  	[smem:$0x3FAA] =	sst s3  }
0xc: {  	[smem:$0x3FAB] =	sst s4  }
0xd: {  	[smem:$0x3FAC] =	sst s5  }
0xe: {  	[smem:$0x3FAD] =	sst s6  }
0xf: {  	[smem:$0x3FAE] =	sst s7  }
0x10: {  	[smem:$0x3FAF] =	sst s8  }
0x11: {  	[smem:$0x3FB0] =	sst s9;
	s0 =	simm.s32 @!p0 $0x0  }
0x12: {  	s1 =	sld [smem:$0x3F96];
	s0 =	simm.s32 @p0 $0x1  }
0x13: {  	[smem:$0x3FB1] =	sst s0;
	s0 =	simm.s32 @!p1 $0x0  }
0x14: {  	s2 =	sld [smem:$0x3F95];
	s0 =	simm.s32 @p1 $0x1  }
0x15: {  	[smem:$0x3FB2] =	sst s0;
	s0 =	simm.s32 @!p2 $0x0  }
0x16: {  	s3 =	sld [smem:$0x3FDB];
	s0 =	simm.s32 @p2 $0x1  }
0x17: {  	s4 =	simm.s32 $0x1BF5;
	[smem:$0x3FB4] =	sst s0  }
0x18: {  	s0 =	sld [smem:$0x3F97];
	_ =	swait.ge [sflag:s4], $0x0  }
0x19: {  	s7 =	sld [smem:$0x3F98]  }
0x1a: {  	s8 =	sadd.s32 $0xFFFFE003, lr  }
0x1b: {  	s9 =	sadd.s32 $0xFFFFFEF7, lr;
	s5 =	simm.s32 $0xFFFFFFFF;
	p2 =	slt.u32 s8, $0xFFFFF086  }
0x1c: {  	p1 =	slt.u32 s9, $0xF7A;
	s5 =	simm.s32 @!p2 $0x0  }
0x1d: {  	s5 =	simm.s32 @p1 $0x1;
	p0 =	seq.s32 s7, s2  }
0x1e: {  	s7 =	smul.u32 @!p0 $0xF7A, s2;
	p2 =	seq.s32 @!p0 s5, $0x0  }
0x1f: {  	s9 =	smul.u32 $0xF7A, s1;
	s8 =	simm.s32 @!p0 $0x1BF5;
	p2 =	por !p2, p0  }
0x20: {  	[sflag:s8] =	ssyncset.s32 @!p0 $0xFFFFF086;
	s6 =	sadd.s32 @!p0 s3, s7;
	s7 =	simm.s32 @!p0 $0x108  }
0x21: {  	s3 =	sadd.s32 s3, s9;
	s6 =	sadd.s32 @!p0 $0x88, s6;
	s7 =	simm.s32 @p2 $0x1082  }
0x22: {  	[simem:s7], [sflag:s8] =	dma.local @!p0 [hbm:s6], $0xF7A  }
0x23: {  	s9 =	sor.u32 $0xD0000000, s2;
	s6 =	simm.s32 $0x108;
	_ =	swait.ge @!p0 [sflag:s8], $0x0  }
0x24: {  	s3 =	sadd.s32 $0x88, s3;
	s6 =	simm.s32 @!p1 $0x1082;
	[sflag:s4] =	ssyncset.s32 $0xFFFFF086  }
0x25: {  	[simem:s6], [sflag:s4] =	dma.local [hbm:s3], $0xF7A  }
0x26: {  	[smem:$0x3F98] =	sst s1;
	(tag) =	ssettag s2;
	_ =	strace s9  }
0x27: {  	s1 =	sld [smem:$0x3FA8]  }
0x28: {  	s2 =	sld [smem:$0x3FA9]  }
0x29: {  	s4 =	sld [smem:$0x3FAB]  }
0x2a: {  	p0 =	seq.s32 s5, $0x0;
	s5 =	sld [smem:$0x3FAC]  }
0x2b: {  	s6 =	sld [smem:$0x3FAD]  }
0x2c: {  	s7 =	sld [smem:$0x3FAE]  }
0x2d: {  	s3 =	simm.s32 $0x108;
	s8 =	sld [smem:$0x3FAF]  }
0x2e: {  	s3 =	simm.s32 @!p0 $0x1082;
	s9 =	sld [smem:$0x3FB0]  }
0x2f: {  	lr =	sadd.s32 s0, s3;
	s0 =	sld [smem:$0x3FA7]  }
0x30: {  	s3 =	sld [smem:$0x3FAA]  }
0x31: {  	[smem:$0x3FB3] =	sst s10  }
0x32: {  	s10 =	sld [smem:$0x3FB1];
	_ =	sdelay $0x3  }
0x33: {  	p0 =	seq.s32 s10, $0x1;
	s10 =	sld [smem:$0x3FB3];
	_ =	sdelay $0x3  }
0x34: {  	[smem:$0x3FB3] =	sst s10  }
0x35: {  	s10 =	sld [smem:$0x3FB2];
	_ =	sdelay $0x3  }
0x36: {  	p1 =	seq.s32 s10, $0x1;
	s10 =	sld [smem:$0x3FB3];
	_ =	sdelay $0x3  }
0x37: {  	[smem:$0x3FB3] =	sst s10  }
0x38: {  	s10 =	sld [smem:$0x3FB4]  }
0x39: {  	_ = 	snop;
	(pc) =	sbr.ind lr, $3  }
0x3a: {  	_ = 	snop  }
0x3b: {  	_ = 	snop  }
0x3c: {  	p2 =	seq.s32 s10, $0x1;
	s10 =	sld [smem:$0x3FB3]  }
0x3d: {  	_ =	shalt  }
0x3e: {  	_ =	shalt  }
0x3f: {  	_ =	shalt  }
0x40: {  	_ =	shalt  }
0x41: {  	_ =	shalt  }
0x42: {  	_ =	shalt  }
0x43: {  	_ =	shalt  }
0x44: {  	_ =	shalt  }
0x45: {  	_ =	shalt  }
0x46: {  	_ =	shalt  }
0x47: {  	_ =	shalt  }
0x48: {  	_ =	shalt  }
0x49: {  	_ =	shalt  }
0x4a: {  	_ =	shalt  }
0x4b: {  	_ =	shalt  }
0x4c: {  	_ =	shalt  }
0x4d: {  	_ =	shalt  }
0x4e: {  	_ =	shalt  }
0x4f: {  	_ =	shalt  }
0x50: {  	_ =	shalt  }
0x51: {  	_ =	shalt  }
0x52: {  	_ =	shalt  }
0x53: {  	_ =	shalt  }
0x54: {  	_ =	shalt  }
0x55: {  	_ =	shalt  }
0x56: {  	_ =	shalt  }
0x57: {  	_ =	shalt  }
0x58: {  	_ =	shalt  }
0x59: {  	_ =	shalt  }
0x5a: {  	_ =	shalt  }
0x5b: {  	_ =	shalt  }
0x5c: {  	_ =	shalt  }
0x5d: {  	_ =	shalt  }
0x5e: {  	_ =	shalt  }
0x5f: {  	_ =	shalt  }
0x60: {  	_ =	shalt  }
0x61: {  	_ =	shalt  }
0x62: {  	_ =	shalt  }
0x63: {  	_ =	shalt  }
0x64: {  	_ =	shalt  }
0x65: {  	_ =	shalt  }
0x66: {  	_ =	shalt  }
0x67: {  	_ =	shalt  }
0x68: {  	_ =	shalt  }
0x69: {  	_ =	shalt  }
0x6a: {  	_ =	shalt  }
0x6b: {  	_ =	shalt  }
0x6c: {  	_ =	shalt  }
0x6d: {  	_ =	shalt  }
0x6e: {  	_ =	shalt  }
0x6f: {  	_ =	shalt  }
0x70: {  	_ =	shalt  }
0x71: {  	_ =	shalt  }
0x72: {  	_ =	shalt  }
0x73: {  	_ =	shalt  }
0x74: {  	_ =	shalt  }
0x75: {  	_ =	shalt  }
0x76: {  	_ =	shalt  }
0x77: {  	_ =	shalt  }
0x78: {  	_ =	shalt  }
0x79: {  	_ =	shalt  }
0x7a: {  	_ =	shalt  }
0x7b: {  	_ =	shalt  }
0x7c: {  	_ =	shalt  }
0x7d: {  	_ =	shalt  }
0x7e: {  	_ =	shalt  }
0x7f: {  	_ =	shalt  }
0x80: {  	_ =	shalt  }
0x81: {  	_ =	shalt  }
0x82: {  	_ =	shalt  }
0x83: {  	_ =	shalt  }
0x84: {  	_ =	shalt  }
0x85: {  	_ =	shalt  }
0x86: {  	_ =	shalt  }
0x87: {  	_ =	shalt  }
.Lfunc_end0:
.L_simem_size_0:
called_computation_lowered:
.L_overlay_start_0:
0x88: {  	s2 =	sld [smem:$0x3FD9]  }
0x89: {  	s3 =	sld [smem:$0x3FFE];
	_ =	sdelay $0x1  }
0x8a: {  	s1 =	srdreg.scid  }
0x8b: {  	s0 =	sand.u32 $0x1, s1  }
0x8c: {  	s17 =	sshll.u32 s0, $0xA;
	s2 =	sadd.s32 s3, s2  }
0x8d: {  	s2 =	sadd.s32 s2, s17  }
0x8e: {  	[smem:$0x3FBF] =	sst s2  }
0x8f: {  	_ = 	snop  }
0x90: {  	s2 =	sld [smem:$0x3FD0];
	(tm) =	ssettm $0x1  }
0x91: {  	s18 =	sld [smem:$0x3FFB];
	_ =	sdelay $0x3  }
0x92: {  	_ =	strace s18  }
0x93: {  	s3 =	sld [smem:$0x3FFC];
	_ =	sdelay $0x3  }
0x94: {  	_ =	strace s3  }
0x95: {  	s3 =	sld [smem:$0x3FFD];
	_ =	sdelay $0x3  }
0x96: {  	_ =	strace s3  }
0x97: {  	_ =	strace $0x8FFFFFFF  }
0x98: {  	s19 =	sld [smem:$0x3FDB];
	_ =	sdelay $0x1  }
0x99: {  	s4 =	simm.s32 $_scs_section_size  }
0x9a: {  	s5 =	simm.s32 $_size__tile_overlayer_lowered;
	s6 =	simm.s32 $_tile_overlayer_lowered  }
0x9b: {  	s22 =	simm.s32 $0x1BFF;
	s21 =	sshll.u32 s6, $0x1;
	s3 =	sadd.s32 s4, s19  }
0x9c: {  	s7 =	simm.s32 $0x0;
	s20 =	sshll.u32 s5, $0x1;
	s5 =	sadd.s32 s21, s3  }
0x9d: {  	[timem:s7], [sflag:s22] =	dma.local [hbm:s5], s20  }
0x9e: {  	_ =	swait.ge [sflag:s22], s20  }
0x9f: {  	s4 =	ssub.s32 $0x0, s20;
	[sflag:s22] =	ssyncset.done $0x0  }
0xa0: {  	[sflag:s22] =	ssyncadd.s32 s4;
	_ =	sdelay $0x1  }
0xa1: {  	s23 =	simm.s32 $0x1B8B  }
0xa2: {  	_ =	swait.ge [sflag:s23], $0x1  }
0xa3: {  	[sflag:s23] =	ssyncset.done $0x0  }
0xa4: {  	s25 =	simm.s32 $0x1B8E;
	s24 =	sld [smem:$0x3FFE];
	[sflag:s23] =	ssyncadd.s32 $0xFFFFFFFF  }
0xa5: {  	s26 =	simm.s32 $execute0_lowered;
	[smem:$0x3FD2] =	sst s25  }
0xa6: {  	s5 =	sshll.u32 s26, $0x1;
	_ =	strace $0x80000046;
	[dreg:$0x1] =	wrdreg $0xFFFFFFFF  }
0xa7: {  	s28 =	simm.s32 $_size_execute0_lowered;
	s3 =	sadd.s32 s3, s5;
	[dreg:$0x0] =	wrdreg $0x0  }
0xa8: {  	s5 =	sshll.u32 s28, $0x1;
	[dreg:$0x2] =	wrdreg s3  }
0xa9: {  	[dreg:$0x3] =	wrdreg s5  }
0xaa: {  	[dreg:$0x4] =	wrdreg $0xC0  }
0xab: {  	_ =	task [dreg:s7], $0x5FFFF  }
0xac: {  	[dreg:$0x1] =	wrdreg $0xFFFFFFFF  }
0xad: {  	[dreg:$0x0] =	wrdreg $0x60  }
0xae: {  	[dreg:$0x2] =	wrdreg s24  }
0xaf: {  	[dreg:$0x3] =	wrdreg s2  }
0xb0: {  	[dreg:$0x4] =	wrdreg $0x9  }
0xb1: {  	_ =	task.clear_ibuf [dreg:s7], $0x5FFFF;
	_ =	strace $0x90000046  }
0xb2: {  	s29 =	simm.s32 $0x9;
	_ =	strace $0x80000048  }
0xb3: {  	_ =	swait.ge [sflag:s29], $0x1  }
0xb4: {  	[sflag:s29] =	ssyncadd.s32 $0xFFFFFFFF  }
0xb5: {  	_ =	strace $0x90000048  }
0xb6: {  	_ =	sfence  }
0xb7: {  	s30 =	sld [smem:$0x0];
	_ =	sdelay $0x2  }
0xb8: {  	s31 =	sshll.u32 s1, $0xD;
	s1 =	sshrl.u32 s1, $0x2  }
0xb9: {  	s3 =	sand.u32 $0x4000, s31;
	s1 =	sadd.s32 s1, s30  }
0xba: {  	s0 =	sor.u32 s3, s0;
	s1 =	sshll.u32 s1, $0x11  }
0xbb: {  	s0 =	sor.u32 s1, s0  }
0xbc: {  	s0 =	sadd.s32 $0x8F2B, s0  }
0xbd: {  	[sflag:s0] =	ssyncadd.remote.s32 $0x1  }
0xbe: {  	_ =	sfence.sel $0xFFFF  }
0xbf: {  	[dreg:$0x0] =	wrdreg $0xFFFFFFFF;
	(pc) =	sbr.abs _section_cstart, $3  }
0xc0: {  	[dreg:$0x1] =	wrdreg $0xFFFFFFFF  }
0xc1: {  	_ =	task.clear_ibuf [dreg:s7], $0x2FFFF;
	_ =	strace $0x9FFFFFFF  }
0xc2: {  	(tm) =	ssettm $0x7FFFFFFF  }
0xc3: {  	_ =	shalt  }
tec
execute0_lowered:
.L_overlay_start_1:
0x0: {  	(tag) =	ssettag $0x1  }
0x1: {  	s5 =	rddreg [dreg:$0x0]  }
0x2: {  	s8 =	rddreg [dreg:$0x1]  }
0x3: {  	s0 =	rddreg [dreg:$0x2];
	s1 =	simm.s32 $0x0;
	s6 =	srdreg.scid  }
0x4: {  	s2 =	stileid.u32;
	s13 =	simm.s32 $0x0;
	[smem:$0x7FF] =	sst s1  }
0x5: {  	s3 =	sadd.s32 $0x1A00, s5;
	s4 =	sadd.s32 $0xA1A00, s5;
	s6 =	sand.u32 $0x1, s6  }
0x6: {  	s7 =	sshll.u32 s2, $0xF;
	s9 =	sshll.u32 s2, $0xE;
	s30 =	sshll.u32 s2, $0xD  }
0x7: {  	_ =	strace $0x80000047;
	s10 =	ssub.s32 $0x2, s6;
	s7 =	sadd.s32 s7, s5  }
0x8: {  	s9 =	sadd.s32 s9, s5;
	s11 =	sshll.u32 s6, $0xC;
	s12 =	sshll.u32 s6, $0xD  }
0x9: {  	s6 =	sshll.u32 s6, $0xE;
	s29 =	sshrl.u32 s10, $0x1;
	s9 =	sadd.s32 s12, s9  }
0xa: {  	s7 =	sadd.s32 s6, s7;
	s12 =	simm.s32 $0x1080;
	s5 =	ssub.s32 s10, s29  }
0xb: {  	s10 =	sor.u32 s11, s30;
	s6 =	sadd.s32 $0xB1A00, s9;
	s7 =	sadd.s32 $0x21A00, s7  }
0xc: {  	s9 =	simm.s32 $0x2;
	s11 =	simm.s32 $0x1;
	s31 =	sshrl.u32 s10, $0x3  }
0xd: {  	s5 =	smax.u32 s5, $0x1;
	s10 =	simm.s32 $0x80;
	s8 =	sadd.s32 s31, s8  }
.LBB2_1:
0xe: {  	s14 =	sadd.s32 $0x0, s8  }
0xf: {  	[tilespmem:s1], [sflag:$0x2] =	stream.linear.gather [hbm4b:s14+s1], $0x80, $0x38;
	[tilespmem:$0x1880] =	vst v63  }
0x10: {  	_ =	swait.ge [sflag:s9], $0x80  }
0x11: {  	[sflag:s9] =	ssyncset.done $0x0  }
0x12: {  	[sflag:s9] =	ssyncadd.s32 $0xFFFFFF80  }
0x13: {  	[tilespmem:s10], [sflag:$0x1] =	stream.indirect.gather [hbm4b:s3+s10], $0x20, s1, s10, $0xb8;
	[tilespmem:$0x1880] =	vst v63  }
0x14: {  	_ =	swait.ge [sflag:s11], $0x1000  }
0x15: {  	[sflag:s11] =	ssyncset.done $0x0  }
0x16: {  	[sflag:s11] =	ssyncadd.s32 $0xFFFFF000  }
0x17: {  	[hbm4b:s7+s1] =	stream.linear.scatter [tilespmem:s10], [sflag:$0x2], $0x1000, $0x38;
	[tilespmem:$0x1880] =	vst v63  }
0x18: {  	_ =	swait.ge [sflag:s9], $0x1000  }
0x19: {  	[sflag:s9] =	ssyncset.done $0x0  }
0x1a: {  	[sflag:s9] =	ssyncadd.s32 $0xFFFFF000  }
0x1b: {  	[tilespmem:s12], [sflag:$0x1] =	stream.indirect.gather [hbm4b:s4+s10], $0x10, s1, s10, $0xb8;
	[tilespmem:$0x1880] =	vst v63  }
0x1c: {  	_ =	swait.ge [sflag:s11], $0x800  }
0x1d: {  	[sflag:s11] =	ssyncset.done $0x0  }
0x1e: {  	[sflag:s11] =	ssyncadd.s32 $0xFFFFF800  }
0x1f: {  	[hbm4b:s6+s1] =	stream.linear.scatter [tilespmem:s12], [sflag:$0x2], $0x800, $0x38;
	[tilespmem:$0x1880] =	vst v63  }
0x20: {  	s16 =	simm.s32 $0x10;
	s17 =	simm.s32 $0x20;
	_ =	swait.ge [sflag:s9], $0x800  }
0x21: {  	s15 =	sadd.s32 $0x200, s7;
	s14 =	sadd.s32 $0x100, s6;
	[sflag:s9] =	ssyncset.done $0x0  }
.LBB2_2:
0x22: {  	s18 =	sadd.s32 s16, s8  }
0x23: {  	[sflag:s9] =	ssyncadd.s32 $0xFFFFF800;
	s16 =	smov.u32 s17;
	s19 =	sadd.s32 $0x10, s17  }
0x24: {  	[tilespmem:s1], [sflag:$0x2] =	stream.linear.gather [hbm4b:s18+s1], $0x80, $0x38;
	[tilespmem:$0x1880] =	vst v63  }
0x25: {  	p0 =	sne.s32 s17, $0x1F0;
	_ =	swait.ge [sflag:s9], $0x80  }
0x26: {  	[sflag:s9] =	ssyncset.done $0x0  }
0x27: {  	[sflag:s9] =	ssyncadd.s32 $0xFFFFFF80  }
0x28: {  	[tilespmem:s10], [sflag:$0x1] =	stream.indirect.gather [hbm4b:s3+s10], $0x20, s1, s10, $0xb8;
	[tilespmem:$0x1880] =	vst v63  }
0x29: {  	_ =	swait.ge [sflag:s11], $0x1000  }
0x2a: {  	[sflag:s11] =	ssyncset.done $0x0  }
0x2b: {  	[sflag:s11] =	ssyncadd.s32 $0xFFFFF000  }
0x2c: {  	[hbm4b:s15+s1] =	stream.linear.scatter [tilespmem:s10], [sflag:$0x2], $0x1000, $0x38;
	[tilespmem:$0x1880] =	vst v63  }
0x2d: {  	_ =	swait.ge [sflag:s9], $0x1000  }
0x2e: {  	[sflag:s9] =	ssyncset.done $0x0  }
0x2f: {  	[sflag:s9] =	ssyncadd.s32 $0xFFFFF000  }
0x30: {  	[tilespmem:s12], [sflag:$0x1] =	stream.indirect.gather [hbm4b:s4+s10], $0x10, s1, s10, $0xb8;
	[tilespmem:$0x1880] =	vst v63  }
0x31: {  	_ =	swait.ge [sflag:s11], $0x800  }
.Ltmp0:
0x32: {  	[sflag:s11] =	ssyncset.done $0x0;
	(pc) =	sbr.rel @p0 .LBB2_2-.Ltmp0, $4  }
0x33: {  	[sflag:s11] =	ssyncadd.s32 $0xFFFFF800  }
0x34: {  	[hbm4b:s14+s1] =	stream.linear.scatter [tilespmem:s12], [sflag:$0x2], $0x800, $0x38;
	[tilespmem:$0x1880] =	vst v63  }
0x35: {  	s17 =	smov.u32 s19;
	_ =	swait.ge [sflag:s9], $0x800  }
0x36: {  	s15 =	sadd.s32 $0x200, s15;
	s14 =	sadd.s32 $0x100, s14;
	[sflag:s9] =	ssyncset.done $0x0  }
0x37: {  	s16 =	sadd.s32 s16, s8;
	[sflag:s9] =	ssyncadd.s32 $0xFFFFF800  }
0x38: {  	[tilespmem:s1], [sflag:$0x2] =	stream.linear.gather [hbm4b:s16+s1], $0x80, $0x38;
	[tilespmem:$0x1880] =	vst v63  }
0x39: {  	_ =	swait.ge [sflag:s9], $0x80  }
0x3a: {  	[sflag:s9] =	ssyncset.done $0x0  }
0x3b: {  	[sflag:s9] =	ssyncadd.s32 $0xFFFFFF80  }
0x3c: {  	[tilespmem:s10], [sflag:$0x1] =	stream.indirect.gather [hbm4b:s3+s10], $0x20, s1, s10, $0xb8;
	[tilespmem:$0x1880] =	vst v63  }
0x3d: {  	_ =	swait.ge [sflag:s11], $0x1000  }
0x3e: {  	[sflag:s11] =	ssyncset.done $0x0  }
0x3f: {  	[sflag:s11] =	ssyncadd.s32 $0xFFFFF000  }
0x40: {  	[hbm4b:s15+s1] =	stream.linear.scatter [tilespmem:s10], [sflag:$0x2], $0x1000, $0x38;
	[tilespmem:$0x1880] =	vst v63  }
0x41: {  	_ =	swait.ge [sflag:s9], $0x1000  }
0x42: {  	[sflag:s9] =	ssyncset.done $0x0  }
0x43: {  	[sflag:s9] =	ssyncadd.s32 $0xFFFFF000  }
0x44: {  	[tilespmem:s12], [sflag:$0x1] =	stream.indirect.gather [hbm4b:s4+s10], $0x10, s1, s10, $0xb8;
	[tilespmem:$0x1880] =	vst v63  }
0x45: {  	s13 =	sadd.s32 $0x1, s13;
	_ =	swait.ge [sflag:s11], $0x800  }
0x46: {  	p0 =	sne.s32 s13, s5;
	[sflag:s11] =	ssyncset.done $0x0  }
.Ltmp1:
0x47: {  	[sflag:s11] =	ssyncadd.s32 $0xFFFFF800;
	(pc) =	sbr.rel @p0 .LBB2_1-.Ltmp1, $4  }
0x48: {  	[hbm4b:s14+s1] =	stream.linear.scatter [tilespmem:s12], [sflag:$0x2], $0x800, $0x38;
	[tilespmem:$0x1880] =	vst v63  }
0x49: {  	_ =	swait.ge [sflag:s9], $0x800  }
0x4a: {  	[sflag:s9] =	ssyncset.done $0x0  }
0x4b: {  	[sflag:s9] =	ssyncadd.s32 $0xFFFFF800  }
0x4c: {  	_ =	sfence.sel $0x180000  }
0x4d: {  	[bflag:$0x0] =	sbarrier.arrive $0xFFFF  }
0x4e: {  	p0 =	sne.s32 s2, $0x0;
	_ =	strace $0x90000047  }
0x4f: {  	s0 =	sadd.s32 @!p0 $0x100000, s0;
	[bflag:$0x2] =	sbarrier.arrive $0xFFFF  }
0x50: {  	[sflag:s0] =	ssyncadd.tile.s32 @!p0 $0x1;
	_ =	shalt  }
.Lfunc_end2:
_tile_overlayer_lowered:
.L_overlay_start_2:
0x51: {  	(tag) =	ssettag $0x2  }
0x52: {  	s0 =	rddreg [dreg:$0x0];
	s2 =	stileid.u32  }
0x53: {  	s1 =	rddreg [dreg:$0x1];
	p0 =	sne.s32 s2, $0x0  }
0x54: {  	s3 =	rddreg [dreg:$0x2];
	[bflag:$0x3] =	sbarrier.arrive $0xFFFF;
	s2 =	simm.s32 @!p0 $0x1C02  }
0x55: {  	[timem:s3], [sflag:s2] =	dma.local @!p0 [hbm:s0], s1  }
0x56: {  	s0 =	simm.s32 @!p0 $0x2  }
0x57: {  	_ =	swait.ge @!p0 [sflag:s0], s1  }
0x58: {  	s1 =	ssub.s32 @!p0 $0x0, s1;
	[sflag:s0] =	ssyncset.done @!p0 $0x0  }
0x59: {  	[sflag:s0] =	ssyncadd.s32 @!p0 s1  }
0x5a: {  	[bflag:$0x3] =	sbarrier.arrive $0xFFFF  }
0x5b: {  	_ =	shalt  }

</sc_bundles>
